<compile_context>
chip_gen: v7x
topology: tpu7x:2x2x1
jax: 0.10.2.dev20260603
libtpu: 0.0.44.dev20260713+nightly
codegen_flags: <defaults>
</compile_context>

<pallas_src>
import functools

import jax
import jax.numpy as jnp
from jax import lax
from jax.experimental import pallas as pl
from jax.experimental.pallas import tpu as pltpu
from jax.experimental.pallas import tpu_sc as plsc

N_NODES = 10000
N_EDGES = 320000
D = 128
CW = 16
DA = D + CW

NC = 2
NS = 16
NW = NC * NS
K = 128
CH = 80
IB = 8
E_PAD = NW * CH * K
N_PAD = 10112
ROWS_PER_TILE = N_PAD // NS

_mesh = plsc.VectorSubcoreMesh(core_axis_name="c", subcore_axis_name="s")


@functools.partial(
    pl.kernel,
    out_type=jax.ShapeDtypeStruct((NC, N_PAD, DA), jnp.float32),
    mesh=_mesh,
    compiler_params=pltpu.CompilerParams(use_tc_tiling_on_sc=False),
    scratch_types=(
        pltpu.VMEM((IB, K), jnp.int32),
        pltpu.VMEM((IB, K), jnp.int32),
        pltpu.VMEM((K, DA), jnp.float32),
        pltpu.VMEM_SHARED((N_PAD, DA), jnp.float32),
        pltpu.SemaphoreType.DMA,
    ),
)
def _sc_aggregate(xa_hbm, src_hbm, dst_hbm, acc_out,
                  src_v, dst_v, rows_v, acc_sh, sem):
    cid = lax.axis_index("c")
    sid = lax.axis_index("s")
    wid = sid * NC + cid

    zeros16 = jnp.zeros((16,), jnp.float32)

    @pl.loop(0, K)
    def _fill(r):
        for kk in range(DA // 16):
            rows_v[r, pl.ds(kk * 16, 16)] = zeros16

    base = sid * ROWS_PER_TILE
    for t in range(ROWS_PER_TILE // K):
        pltpu.sync_copy(rows_v, acc_sh.at[pl.ds(base + t * K, K)])
    rem = ROWS_PER_TILE % K
    if rem:
        pltpu.sync_copy(rows_v.at[pl.ds(0, rem)],
                        acc_sh.at[pl.ds(base + (ROWS_PER_TILE // K) * K, rem)])
    plsc.subcore_barrier()

    @pl.loop(0, CH // IB)
    def _slab(s):
        pltpu.sync_copy(src_hbm.at[wid, pl.ds(s * IB, IB)], src_v)
        pltpu.sync_copy(dst_hbm.at[wid, pl.ds(s * IB, IB)], dst_v)

        @pl.loop(0, IB)
        def _chunk(j):
            pltpu.async_copy(xa_hbm.at[src_v.at[j]], rows_v, sem).wait()
            pltpu.sync_copy(rows_v, acc_sh.at[dst_v.at[j]], add=True)

    plsc.subcore_barrier()

    pltpu.sync_copy(acc_sh.at[pl.ds(base, ROWS_PER_TILE)],
                    acc_out.at[cid, pl.ds(base, ROWS_PER_TILE)])


_BM = 400


def _combine_body(p_ref, x_ref, wl_ref, wr_ref, b_ref, o_ref):
    p = p_ref[0] + p_ref[1]
    agg = p[:, :D]
    cnt = jnp.sum(p[:, D:], axis=1, keepdims=True) * (1.0 / CW)
    mean = agg / jnp.maximum(cnt, 1.0)
    dn = (((1,), (1,)), ((), ()))
    o_ref[...] = (
        lax.dot_general(mean, wl_ref[...], dn, preferred_element_type=jnp.float32)
        + lax.dot_general(x_ref[...], wr_ref[...], dn, preferred_element_type=jnp.float32)
        + b_ref[...]
    )


_combine = pl.pallas_call(
    _combine_body,
    grid=(N_NODES // _BM,),
    in_specs=[
        pl.BlockSpec((NC, _BM, DA), lambda j: (0, j, 0)),
        pl.BlockSpec((_BM, D), lambda j: (j, 0)),
        pl.BlockSpec((D, D), lambda j: (0, 0)),
        pl.BlockSpec((D, D), lambda j: (0, 0)),
        pl.BlockSpec((1, D), lambda j: (0, 0)),
    ],
    out_specs=pl.BlockSpec((_BM, D), lambda j: (j, 0)),
    out_shape=jax.ShapeDtypeStruct((N_NODES, D), jnp.float32),
)


def kernel(x, msg_pass_edge_index, W_l, b_l, W_r):
    src = msg_pass_edge_index[0].astype(jnp.int32)
    dst = msg_pass_edge_index[1].astype(jnp.int32)
    pad = E_PAD - N_EDGES
    trash = N_NODES + jnp.arange(pad, dtype=jnp.int32) % (N_PAD - N_NODES)
    src_p = jnp.concatenate([src, jnp.zeros((pad,), jnp.int32)]).reshape(NW, CH, K)
    dst_p = jnp.concatenate([dst, trash]).reshape(NW, CH, K)
    xa = jnp.concatenate([x, jnp.ones((N_NODES, CW), jnp.float32)], axis=1)
    acc_p = _sc_aggregate(xa, src_p, dst_p)
    return _combine(acc_p, x, W_l, W_r, b_l.reshape(1, D))

# --- scband reference (transcript-rebuilt; emitter-appended) ---
"""Pipeline reference for scband-gnn-model-14499809592153 (READ-ONLY COPY).

The authoritative reference and input builder live on the scoring server;
editing this copy changes nothing except your own understanding.
"""

import jax, jax.numpy as jnp
import numpy as np

N_NODES = 10000
N_EDGES = 320000
D_IN = 128
D_OUT = 128


def setup_inputs(seed: int = 0) -> dict:
    key = jax.random.key(seed)
    k1, k2, k3, k4, k5 = jax.random.split(key, 5)
    x = jax.random.normal(k1, (N_NODES, D_IN), dtype=jnp.float32)
    msg_pass_edge_index = jax.random.randint(k2, (2, N_EDGES), 0, N_NODES)
    # PyG SAGEConv params: lin_l (with bias) applied to aggregated neighbors,
    # lin_r (no bias) applied to root/self features.
    scale = 1.0 / np.sqrt(D_IN)
    W_l = jax.random.uniform(k3, (D_OUT, D_IN), dtype=jnp.float32, minval=-scale, maxval=scale)
    b_l = jax.random.uniform(k4, (D_OUT,), dtype=jnp.float32, minval=-scale, maxval=scale)
    W_r = jax.random.uniform(k5, (D_OUT, D_IN), dtype=jnp.float32, minval=-scale, maxval=scale)
    return {"x": x, "msg_pass_edge_index": msg_pass_edge_index, "W_l": W_l, "b_l": b_l, "W_r": W_r}


def reference(x, msg_pass_edge_index, W_l, b_l, W_r):
    # GNN_model forward with n_conv_layers=1, conv_type='SAGEConv':
    #   x = SAGEConv(x, edge_index); x = dropout(x, 0.2, training=False) -> identity (eval)
    # SAGEConv (mean aggregation, normalize=False):
    #   out = lin_l(mean_{j in N(i)} x_j) + lin_r(x_i)
    N = x.shape[0]
    src = msg_pass_edge_index[0]
    dst = msg_pass_edge_index[1]
    msgs = x[src]  # gather source node features per edge
    agg = jax.ops.segment_sum(msgs, dst, num_segments=N)  # scatter-add by dst
    cnt = jax.ops.segment_sum(jnp.ones((msgs.shape[0],), dtype=x.dtype), dst, num_segments=N)
    mean = agg / jnp.clip(cnt, 1.0, None)[:, None]
    out = mean @ W_l.T + b_l + x @ W_r.T
    return out

if __name__ == "__main__":
    import jax
    _d = setup_inputs()
    print(jax.jit(kernel)(*tuple(_d.values())))

</pallas_src>

<mosaic_0001>
#map = affine_map<(d0, d1) -> (0, 0)>
#map1 = affine_map<(d0, d1) -> (0, 0, 0)>
module attributes {stable_mosaic.version = 14 : i64} {
  func.func @_sc_aggregate(%arg0: i32, %arg1: i32, %arg2: memref<10000x144xf32, #tpu.memory_space<hbm>>, %arg3: memref<32x80x128xi32, #tpu.memory_space<hbm>>, %arg4: memref<32x80x128xi32, #tpu.memory_space<hbm>>, %arg5: memref<2x10112x144xf32, #tpu.memory_space<hbm>>, %arg6: memref<8x128xi32, #tpu.memory_space<vmem>>, %arg7: memref<8x128xi32, #tpu.memory_space<vmem>>, %arg8: memref<128x144xf32, #tpu.memory_space<vmem>>, %arg9: memref<10112x144xf32, #tpu.memory_space<vmem_shared>>, %arg10: memref<!tpu.dma_semaphore, #tpu.memory_space<semaphore_mem>>) attributes {dimension_semantics = [#tpu.dimension_semantics<core_parallel>, #tpu.dimension_semantics<subcore_parallel>], iteration_bounds = array<i64: 2, 16>, scalar_prefetch = 0 : i64, scratch_operands = 5 : i64, tpu.core_type = #tpu.core_type<sc_vector_subcore>, window_params = [{transform_indices = #map}, {transform_indices = #map1}, {transform_indices = #map1}, {transform_indices = #map1}]} {
    %mul3A = arith.constant 2 : i32
    %mul3A_0 = arith.muli %arg1, %mul3A : i32
    %add3A = arith.addi %mul3A_0, %arg0 : i32
    %broadcast_in_dim3A = arith.constant 0.000000e+00 : f32
    %broadcast_in_dim3A_1 = vector.broadcast %broadcast_in_dim3A : f32 to vector<16xf32>
    %scan3A = arith.constant 0 : i32
    %scan3A_2 = arith.constant 128 : i32
    %scan3A_3 = arith.addi %scan3A, %scan3A_2 : i32
    %scan3A_4 = arith.constant 1 : i32
    scf.for %scan3A_24 = %scan3A to %scan3A_3 step %scan3A_4  : i32 {
      %mul3A_25 = arith.constant 1 : i32
      %mul3A_26 = arith.muli %scan3A_24, %mul3A_25 : i32
      %add3A_27 = arith.constant 0 : i32
      %add3A_28 = arith.addi %add3A_27, %mul3A_26 : i32
      %swap3A = arith.index_cast %add3A_28 : i32 to index
      %swap3A_29 = arith.constant 0 : index
      %swap3A_30 = tpu.vector_load %arg8[%swap3A, %swap3A_29] {strides = array<i32>} : memref<128x144xf32, #tpu.memory_space<vmem>>, vector<1x16xf32>,
      %swap3A_31 = vector.shape_cast %swap3A_30 : vector<1x16xf32> to vector<16xf32>
      %swap3A_32 = vector.shape_cast %broadcast_in_dim3A_1 : vector<16xf32> to vector<1x16xf32>
      tpu.vector_store %arg8[%swap3A, %swap3A_29], %swap3A_32 {strides = array<i32>} : memref<128x144xf32, #tpu.memory_space<vmem>>, vector<1x16xf32>,
      %swap3A_33 = arith.index_cast %add3A_28 : i32 to index
      %swap3A_34 = arith.constant 16 : index
      %swap3A_35 = tpu.vector_load %arg8[%swap3A_33, %swap3A_34] {strides = array<i32>} : memref<128x144xf32, #tpu.memory_space<vmem>>, vector<1x16xf32>,
      %swap3A_36 = vector.shape_cast %swap3A_35 : vector<1x16xf32> to vector<16xf32>
      %swap3A_37 = vector.shape_cast %broadcast_in_dim3A_1 : vector<16xf32> to vector<1x16xf32>
      tpu.vector_store %arg8[%swap3A_33, %swap3A_34], %swap3A_37 {strides = array<i32>} : memref<128x144xf32, #tpu.memory_space<vmem>>, vector<1x16xf32>,
      %swap3A_38 = arith.index_cast %add3A_28 : i32 to index
      %swap3A_39 = arith.constant 32 : index
      %swap3A_40 = tpu.vector_load %arg8[%swap3A_38, %swap3A_39] {strides = array<i32>} : memref<128x144xf32, #tpu.memory_space<vmem>>, vector<1x16xf32>,
      %swap3A_41 = vector.shape_cast %swap3A_40 : vector<1x16xf32> to vector<16xf32>
      %swap3A_42 = vector.shape_cast %broadcast_in_dim3A_1 : vector<16xf32> to vector<1x16xf32>
      tpu.vector_store %arg8[%swap3A_38, %swap3A_39], %swap3A_42 {strides = array<i32>} : memref<128x144xf32, #tpu.memory_space<vmem>>, vector<1x16xf32>,
      %swap3A_43 = arith.index_cast %add3A_28 : i32 to index
      %swap3A_44 = arith.constant 48 : index
      %swap3A_45 = tpu.vector_load %arg8[%swap3A_43, %swap3A_44] {strides = array<i32>} : memref<128x144xf32, #tpu.memory_space<vmem>>, vector<1x16xf32>,
      %swap3A_46 = vector.shape_cast %swap3A_45 : vector<1x16xf32> to vector<16xf32>
      %swap3A_47 = vector.shape_cast %broadcast_in_dim3A_1 : vector<16xf32> to vector<1x16xf32>
      tpu.vector_store %arg8[%swap3A_43, %swap3A_44], %swap3A_47 {strides = array<i32>} : memref<128x144xf32, #tpu.memory_space<vmem>>, vector<1x16xf32>,
      %swap3A_48 = arith.index_cast %add3A_28 : i32 to index
      %swap3A_49 = arith.constant 64 : index
      %swap3A_50 = tpu.vector_load %arg8[%swap3A_48, %swap3A_49] {strides = array<i32>} : memref<128x144xf32, #tpu.memory_space<vmem>>, vector<1x16xf32>,
      %swap3A_51 = vector.shape_cast %swap3A_50 : vector<1x16xf32> to vector<16xf32>
      %swap3A_52 = vector.shape_cast %broadcast_in_dim3A_1 : vector<16xf32> to vector<1x16xf32>
      tpu.vector_store %arg8[%swap3A_48, %swap3A_49], %swap3A_52 {strides = array<i32>} : memref<128x144xf32, #tpu.memory_space<vmem>>, vector<1x16xf32>,
      %swap3A_53 = arith.index_cast %add3A_28 : i32 to index
      %swap3A_54 = arith.constant 80 : index
      %swap3A_55 = tpu.vector_load %arg8[%swap3A_53, %swap3A_54] {strides = array<i32>} : memref<128x144xf32, #tpu.memory_space<vmem>>, vector<1x16xf32>,
      %swap3A_56 = vector.shape_cast %swap3A_55 : vector<1x16xf32> to vector<16xf32>
      %swap3A_57 = vector.shape_cast %broadcast_in_dim3A_1 : vector<16xf32> to vector<1x16xf32>
      tpu.vector_store %arg8[%swap3A_53, %swap3A_54], %swap3A_57 {strides = array<i32>} : memref<128x144xf32, #tpu.memory_space<vmem>>, vector<1x16xf32>,
      %swap3A_58 = arith.index_cast %add3A_28 : i32 to index
      %swap3A_59 = arith.constant 96 : index
      %swap3A_60 = tpu.vector_load %arg8[%swap3A_58, %swap3A_59] {strides = array<i32>} : memref<128x144xf32, #tpu.memory_space<vmem>>, vector<1x16xf32>,
      %swap3A_61 = vector.shape_cast %swap3A_60 : vector<1x16xf32> to vector<16xf32>
      %swap3A_62 = vector.shape_cast %broadcast_in_dim3A_1 : vector<16xf32> to vector<1x16xf32>
      tpu.vector_store %arg8[%swap3A_58, %swap3A_59], %swap3A_62 {strides = array<i32>} : memref<128x144xf32, #tpu.memory_space<vmem>>, vector<1x16xf32>,
      %swap3A_63 = arith.index_cast %add3A_28 : i32 to index
      %swap3A_64 = arith.constant 112 : index
      %swap3A_65 = tpu.vector_load %arg8[%swap3A_63, %swap3A_64] {strides = array<i32>} : memref<128x144xf32, #tpu.memory_space<vmem>>, vector<1x16xf32>,
      %swap3A_66 = vector.shape_cast %swap3A_65 : vector<1x16xf32> to vector<16xf32>
      %swap3A_67 = vector.shape_cast %broadcast_in_dim3A_1 : vector<16xf32> to vector<1x16xf32>
      tpu.vector_store %arg8[%swap3A_63, %swap3A_64], %swap3A_67 {strides = array<i32>} : memref<128x144xf32, #tpu.memory_space<vmem>>, vector<1x16xf32>,
      %swap3A_68 = arith.index_cast %add3A_28 : i32 to index
      %swap3A_69 = arith.constant 128 : index
      %swap3A_70 = tpu.vector_load %arg8[%swap3A_68, %swap3A_69] {strides = array<i32>} : memref<128x144xf32, #tpu.memory_space<vmem>>, vector<1x16xf32>,
      %swap3A_71 = vector.shape_cast %swap3A_70 : vector<1x16xf32> to vector<16xf32>
      %swap3A_72 = vector.shape_cast %broadcast_in_dim3A_1 : vector<16xf32> to vector<1x16xf32>
      tpu.vector_store %arg8[%swap3A_68, %swap3A_69], %swap3A_72 {strides = array<i32>} : memref<128x144xf32, #tpu.memory_space<vmem>>, vector<1x16xf32>,
    }
    %scan3A_5 = arith.constant 128 : i32
    %mul3A_6 = arith.constant 632 : i32
    %mul3A_7 = arith.muli %arg1, %mul3A_6 : i32
    %add3A_8 = arith.constant 0 : i32
    %add3A_9 = arith.addi %mul3A_7, %add3A_8 : i32
    "tpu.region"() ({
      %run_scoped3A = tpu.sem_alloc : memref<!tpu.dma_semaphore, #tpu.memory_space<semaphore_mem>>
      %dma_start3A = arith.constant 0 : i32
      %dma_start3A_24 = tpu.memref_slice %arg9[%add3A_9, %dma_start3A] : memref<10112x144xf32, #tpu.memory_space<vmem_shared>> -> memref<128x144xf32, #tpu.memory_space<vmem_shared>>
      %dma_start3A_25 = arith.constant 0 : i32
      %dma_start3A_26 = tpu.memref_slice %arg9[%add3A_9, %dma_start3A_25] : memref<10112x144xf32, #tpu.memory_space<vmem_shared>> -> memref<128x144xf32, #tpu.memory_space<vmem_shared>>
      tpu.enqueue_dma source(%arg8 : memref<128x144xf32, #tpu.memory_space<vmem>>) target(%dma_start3A_26 : memref<128x144xf32, #tpu.memory_space<vmem_shared>>) target_semaphore(%run_scoped3A : memref<!tpu.dma_semaphore, #tpu.memory_space<semaphore_mem>>)
      %dma_wait3A = arith.constant 0 : i32
      %dma_wait3A_27 = tpu.memref_slice %arg9[%add3A_9, %dma_wait3A] : memref<10112x144xf32, #tpu.memory_space<vmem_shared>> -> memref<128x144xf32, #tpu.memory_space<vmem_shared>>
      %dma_wait3A_28 = arith.constant 0 : i32
      %dma_wait3A_29 = tpu.memref_slice %arg9[%add3A_9, %dma_wait3A_28] : memref<10112x144xf32, #tpu.memory_space<vmem_shared>> -> memref<128x144xf32, #tpu.memory_space<vmem_shared>>
      tpu.wait_dma2 semaphore(%run_scoped3A : memref<!tpu.dma_semaphore, #tpu.memory_space<semaphore_mem>>) src(%arg8 : memref<128x144xf32, #tpu.memory_space<vmem>>) dst(%dma_wait3A_29 : memref<128x144xf32, #tpu.memory_space<vmem_shared>>)
      tpu.yield
    }) : () -> ()
    %add3A_10 = arith.constant 128 : i32
    %add3A_11 = arith.addi %mul3A_7, %add3A_10 : i32
    "tpu.region"() ({
      %run_scoped3A = tpu.sem_alloc : memref<!tpu.dma_semaphore, #tpu.memory_space<semaphore_mem>>
      %dma_start3A = arith.constant 0 : i32
      %dma_start3A_24 = tpu.memref_slice %arg9[%add3A_11, %dma_start3A] : memref<10112x144xf32, #tpu.memory_space<vmem_shared>> -> memref<128x144xf32, #tpu.memory_space<vmem_shared>>
      %dma_start3A_25 = arith.constant 0 : i32
      %dma_start3A_26 = tpu.memref_slice %arg9[%add3A_11, %dma_start3A_25] : memref<10112x144xf32, #tpu.memory_space<vmem_shared>> -> memref<128x144xf32, #tpu.memory_space<vmem_shared>>
      tpu.enqueue_dma source(%arg8 : memref<128x144xf32, #tpu.memory_space<vmem>>) target(%dma_start3A_26 : memref<128x144xf32, #tpu.memory_space<vmem_shared>>) target_semaphore(%run_scoped3A : memref<!tpu.dma_semaphore, #tpu.memory_space<semaphore_mem>>)
      %dma_wait3A = arith.constant 0 : i32
      %dma_wait3A_27 = tpu.memref_slice %arg9[%add3A_11, %dma_wait3A] : memref<10112x144xf32, #tpu.memory_space<vmem_shared>> -> memref<128x144xf32, #tpu.memory_space<vmem_shared>>
      %dma_wait3A_28 = arith.constant 0 : i32
      %dma_wait3A_29 = tpu.memref_slice %arg9[%add3A_11, %dma_wait3A_28] : memref<10112x144xf32, #tpu.memory_space<vmem_shared>> -> memref<128x144xf32, #tpu.memory_space<vmem_shared>>
      tpu.wait_dma2 semaphore(%run_scoped3A : memref<!tpu.dma_semaphore, #tpu.memory_space<semaphore_mem>>) src(%arg8 : memref<128x144xf32, #tpu.memory_space<vmem>>) dst(%dma_wait3A_29 : memref<128x144xf32, #tpu.memory_space<vmem_shared>>)
      tpu.yield
    }) : () -> ()
    %add3A_12 = arith.constant 256 : i32
    %add3A_13 = arith.addi %mul3A_7, %add3A_12 : i32
    "tpu.region"() ({
      %run_scoped3A = tpu.sem_alloc : memref<!tpu.dma_semaphore, #tpu.memory_space<semaphore_mem>>
      %dma_start3A = arith.constant 0 : i32
      %dma_start3A_24 = tpu.memref_slice %arg9[%add3A_13, %dma_start3A] : memref<10112x144xf32, #tpu.memory_space<vmem_shared>> -> memref<128x144xf32, #tpu.memory_space<vmem_shared>>
      %dma_start3A_25 = arith.constant 0 : i32
      %dma_start3A_26 = tpu.memref_slice %arg9[%add3A_13, %dma_start3A_25] : memref<10112x144xf32, #tpu.memory_space<vmem_shared>> -> memref<128x144xf32, #tpu.memory_space<vmem_shared>>
      tpu.enqueue_dma source(%arg8 : memref<128x144xf32, #tpu.memory_space<vmem>>) target(%dma_start3A_26 : memref<128x144xf32, #tpu.memory_space<vmem_shared>>) target_semaphore(%run_scoped3A : memref<!tpu.dma_semaphore, #tpu.memory_space<semaphore_mem>>)
      %dma_wait3A = arith.constant 0 : i32
      %dma_wait3A_27 = tpu.memref_slice %arg9[%add3A_13, %dma_wait3A] : memref<10112x144xf32, #tpu.memory_space<vmem_shared>> -> memref<128x144xf32, #tpu.memory_space<vmem_shared>>
      %dma_wait3A_28 = arith.constant 0 : i32
      %dma_wait3A_29 = tpu.memref_slice %arg9[%add3A_13, %dma_wait3A_28] : memref<10112x144xf32, #tpu.memory_space<vmem_shared>> -> memref<128x144xf32, #tpu.memory_space<vmem_shared>>
      tpu.wait_dma2 semaphore(%run_scoped3A : memref<!tpu.dma_semaphore, #tpu.memory_space<semaphore_mem>>) src(%arg8 : memref<128x144xf32, #tpu.memory_space<vmem>>) dst(%dma_wait3A_29 : memref<128x144xf32, #tpu.memory_space<vmem_shared>>)
      tpu.yield
    }) : () -> ()
    %add3A_14 = arith.constant 384 : i32
    %add3A_15 = arith.addi %mul3A_7, %add3A_14 : i32
    "tpu.region"() ({
      %run_scoped3A = tpu.sem_alloc : memref<!tpu.dma_semaphore, #tpu.memory_space<semaphore_mem>>
      %dma_start3A = arith.constant 0 : i32
      %dma_start3A_24 = tpu.memref_slice %arg9[%add3A_15, %dma_start3A] : memref<10112x144xf32, #tpu.memory_space<vmem_shared>> -> memref<128x144xf32, #tpu.memory_space<vmem_shared>>
      %dma_start3A_25 = arith.constant 0 : i32
      %dma_start3A_26 = tpu.memref_slice %arg9[%add3A_15, %dma_start3A_25] : memref<10112x144xf32, #tpu.memory_space<vmem_shared>> -> memref<128x144xf32, #tpu.memory_space<vmem_shared>>
      tpu.enqueue_dma source(%arg8 : memref<128x144xf32, #tpu.memory_space<vmem>>) target(%dma_start3A_26 : memref<128x144xf32, #tpu.memory_space<vmem_shared>>) target_semaphore(%run_scoped3A : memref<!tpu.dma_semaphore, #tpu.memory_space<semaphore_mem>>)
      %dma_wait3A = arith.constant 0 : i32
      %dma_wait3A_27 = tpu.memref_slice %arg9[%add3A_15, %dma_wait3A] : memref<10112x144xf32, #tpu.memory_space<vmem_shared>> -> memref<128x144xf32, #tpu.memory_space<vmem_shared>>
      %dma_wait3A_28 = arith.constant 0 : i32
      %dma_wait3A_29 = tpu.memref_slice %arg9[%add3A_15, %dma_wait3A_28] : memref<10112x144xf32, #tpu.memory_space<vmem_shared>> -> memref<128x144xf32, #tpu.memory_space<vmem_shared>>
      tpu.wait_dma2 semaphore(%run_scoped3A : memref<!tpu.dma_semaphore, #tpu.memory_space<semaphore_mem>>) src(%arg8 : memref<128x144xf32, #tpu.memory_space<vmem>>) dst(%dma_wait3A_29 : memref<128x144xf32, #tpu.memory_space<vmem_shared>>)
      tpu.yield
    }) : () -> ()
    %add3A_16 = arith.constant 512 : i32
    %add3A_17 = arith.addi %mul3A_7, %add3A_16 : i32
    "tpu.region"() ({
      %run_scoped3A = tpu.sem_alloc : memref<!tpu.dma_semaphore, #tpu.memory_space<semaphore_mem>>
      %dma_start3A = arith.constant 0 : i32
      %dma_start3A_24 = arith.constant 0 : i32
      %dma_start3A_25 = tpu.memref_slice %arg8[%dma_start3A, %dma_start3A_24] : memref<128x144xf32, #tpu.memory_space<vmem>> -> memref<120x144xf32, #tpu.memory_space<vmem>>
      %dma_start3A_26 = arith.constant 0 : i32
      %dma_start3A_27 = tpu.memref_slice %arg9[%add3A_17, %dma_start3A_26] : memref<10112x144xf32, #tpu.memory_space<vmem_shared>> -> memref<120x144xf32, #tpu.memory_space<vmem_shared>>
      %dma_start3A_28 = arith.constant 0 : i32
      %dma_start3A_29 = tpu.memref_slice %arg9[%add3A_17, %dma_start3A_28] : memref<10112x144xf32, #tpu.memory_space<vmem_shared>> -> memref<120x144xf32, #tpu.memory_space<vmem_shared>>
      %dma_start3A_30 = arith.constant 0 : i32
      %dma_start3A_31 = arith.constant 0 : i32
      %dma_start3A_32 = tpu.memref_slice %arg8[%dma_start3A_30, %dma_start3A_31] : memref<128x144xf32, #tpu.memory_space<vmem>> -> memref<120x144xf32, #tpu.memory_space<vmem>>
      tpu.enqueue_dma source(%dma_start3A_32 : memref<120x144xf32, #tpu.memory_space<vmem>>) target(%dma_start3A_29 : memref<120x144xf32, #tpu.memory_space<vmem_shared>>) target_semaphore(%run_scoped3A : memref<!tpu.dma_semaphore, #tpu.memory_space<semaphore_mem>>)
      %dma_wait3A = arith.constant 0 : i32
      %dma_wait3A_33 = arith.constant 0 : i32
      %dma_wait3A_34 = tpu.memref_slice %arg8[%dma_wait3A, %dma_wait3A_33] : memref<128x144xf32, #tpu.memory_space<vmem>> -> memref<120x144xf32, #tpu.memory_space<vmem>>
      %dma_wait3A_35 = arith.constant 0 : i32
      %dma_wait3A_36 = tpu.memref_slice %arg9[%add3A_17, %dma_wait3A_35] : memref<10112x144xf32, #tpu.memory_space<vmem_shared>> -> memref<120x144xf32, #tpu.memory_space<vmem_shared>>
      %dma_wait3A_37 = arith.constant 0 : i32
      %dma_wait3A_38 = tpu.memref_slice %arg9[%add3A_17, %dma_wait3A_37] : memref<10112x144xf32, #tpu.memory_space<vmem_shared>> -> memref<120x144xf32, #tpu.memory_space<vmem_shared>>
      %dma_wait3A_39 = arith.constant 0 : i32
      %dma_wait3A_40 = arith.constant 0 : i32
      %dma_wait3A_41 = tpu.memref_slice %arg8[%dma_wait3A_39, %dma_wait3A_40] : memref<128x144xf32, #tpu.memory_space<vmem>> -> memref<120x144xf32, #tpu.memory_space<vmem>>
      tpu.wait_dma2 semaphore(%run_scoped3A : memref<!tpu.dma_semaphore, #tpu.memory_space<semaphore_mem>>) src(%dma_wait3A_41 : memref<120x144xf32, #tpu.memory_space<vmem>>) dst(%dma_wait3A_38 : memref<120x144xf32, #tpu.memory_space<vmem_shared>>)
      tpu.yield
    }) : () -> ()
    %barrier3A = arith.constant 0 : index
    tpu.barrier barrier_id(%barrier3A)
    %scan3A_18 = arith.constant 0 : i32
    %scan3A_19 = arith.constant 10 : i32
    %scan3A_20 = arith.addi %scan3A_18, %scan3A_19 : i32
    %scan3A_21 = arith.constant 1 : i32
    scf.for %scan3A_24 = %scan3A_18 to %scan3A_20 step %scan3A_21  : i32 {
      %mul3A_25 = arith.constant 1 : i32
      %mul3A_26 = arith.muli %scan3A_24, %mul3A_25 : i32
      %add3A_27 = arith.constant 0 : i32
      %add3A_28 = arith.addi %add3A_27, %mul3A_26 : i32
      %mul3A_29 = arith.constant 8 : i32
      %mul3A_30 = arith.muli %add3A_28, %mul3A_29 : i32
      "tpu.region"() ({
        %run_scoped3A = tpu.sem_alloc : memref<!tpu.dma_semaphore, #tpu.memory_space<semaphore_mem>>
        %dma_start3A = arith.constant 0 : i32
        %dma_start3A_38 = tpu.memref_slice %arg3[%add3A, %mul3A_30, %dma_start3A] : memref<32x80x128xi32, #tpu.memory_space<hbm>> -> memref<1x8x128xi32, #tpu.memory_space<hbm>>
        %dma_start3A_39 = tpu.memref_squeeze %dma_start3A_38 : memref<1x8x128xi32, #tpu.memory_space<hbm>> -> memref<8x128xi32, #tpu.memory_space<hbm>>
        %dma_start3A_40 = arith.constant 0 : i32
        %dma_start3A_41 = tpu.memref_slice %arg3[%add3A, %mul3A_30, %dma_start3A_40] : memref<32x80x128xi32, #tpu.memory_space<hbm>> -> memref<1x8x128xi32, #tpu.memory_space<hbm>>
        %dma_start3A_42 = tpu.memref_squeeze %dma_start3A_41 : memref<1x8x128xi32, #tpu.memory_space<hbm>> -> memref<8x128xi32, #tpu.memory_space<hbm>>
        tpu.enqueue_dma source(%dma_start3A_42 : memref<8x128xi32, #tpu.memory_space<hbm>>) target(%arg6 : memref<8x128xi32, #tpu.memory_space<vmem>>) target_semaphore(%run_scoped3A : memref<!tpu.dma_semaphore, #tpu.memory_space<semaphore_mem>>)
        %dma_wait3A = arith.constant 0 : i32
        %dma_wait3A_43 = tpu.memref_slice %arg3[%add3A, %mul3A_30, %dma_wait3A] : memref<32x80x128xi32, #tpu.memory_space<hbm>> -> memref<1x8x128xi32, #tpu.memory_space<hbm>>
        %dma_wait3A_44 = tpu.memref_squeeze %dma_wait3A_43 : memref<1x8x128xi32, #tpu.memory_space<hbm>> -> memref<8x128xi32, #tpu.memory_space<hbm>>
        %dma_wait3A_45 = arith.constant 0 : i32
        %dma_wait3A_46 = tpu.memref_slice %arg3[%add3A, %mul3A_30, %dma_wait3A_45] : memref<32x80x128xi32, #tpu.memory_space<hbm>> -> memref<1x8x128xi32, #tpu.memory_space<hbm>>
        %dma_wait3A_47 = tpu.memref_squeeze %dma_wait3A_46 : memref<1x8x128xi32, #tpu.memory_space<hbm>> -> memref<8x128xi32, #tpu.memory_space<hbm>>
        tpu.wait_dma2 semaphore(%run_scoped3A : memref<!tpu.dma_semaphore, #tpu.memory_space<semaphore_mem>>) src(%dma_wait3A_47 : memref<8x128xi32, #tpu.memory_space<hbm>>) dst(%arg6 : memref<8x128xi32, #tpu.memory_space<vmem>>)
        tpu.yield
      }) : () -> ()
      %mul3A_31 = arith.constant 8 : i32
      %mul3A_32 = arith.muli %add3A_28, %mul3A_31 : i32
      "tpu.region"() ({
        %run_scoped3A = tpu.sem_alloc : memref<!tpu.dma_semaphore, #tpu.memory_space<semaphore_mem>>
        %dma_start3A = arith.constant 0 : i32
        %dma_start3A_38 = tpu.memref_slice %arg4[%add3A, %mul3A_32, %dma_start3A] : memref<32x80x128xi32, #tpu.memory_space<hbm>> -> memref<1x8x128xi32, #tpu.memory_space<hbm>>
        %dma_start3A_39 = tpu.memref_squeeze %dma_start3A_38 : memref<1x8x128xi32, #tpu.memory_space<hbm>> -> memref<8x128xi32, #tpu.memory_space<hbm>>
        %dma_start3A_40 = arith.constant 0 : i32
        %dma_start3A_41 = tpu.memref_slice %arg4[%add3A, %mul3A_32, %dma_start3A_40] : memref<32x80x128xi32, #tpu.memory_space<hbm>> -> memref<1x8x128xi32, #tpu.memory_space<hbm>>
        %dma_start3A_42 = tpu.memref_squeeze %dma_start3A_41 : memref<1x8x128xi32, #tpu.memory_space<hbm>> -> memref<8x128xi32, #tpu.memory_space<hbm>>
        tpu.enqueue_dma source(%dma_start3A_42 : memref<8x128xi32, #tpu.memory_space<hbm>>) target(%arg7 : memref<8x128xi32, #tpu.memory_space<vmem>>) target_semaphore(%run_scoped3A : memref<!tpu.dma_semaphore, #tpu.memory_space<semaphore_mem>>)
        %dma_wait3A = arith.constant 0 : i32
        %dma_wait3A_43 = tpu.memref_slice %arg4[%add3A, %mul3A_32, %dma_wait3A] : memref<32x80x128xi32, #tpu.memory_space<hbm>> -> memref<1x8x128xi32, #tpu.memory_space<hbm>>
        %dma_wait3A_44 = tpu.memref_squeeze %dma_wait3A_43 : memref<1x8x128xi32, #tpu.memory_space<hbm>> -> memref<8x128xi32, #tpu.memory_space<hbm>>
        %dma_wait3A_45 = arith.constant 0 : i32
        %dma_wait3A_46 = tpu.memref_slice %arg4[%add3A, %mul3A_32, %dma_wait3A_45] : memref<32x80x128xi32, #tpu.memory_space<hbm>> -> memref<1x8x128xi32, #tpu.memory_space<hbm>>
        %dma_wait3A_47 = tpu.memref_squeeze %dma_wait3A_46 : memref<1x8x128xi32, #tpu.memory_space<hbm>> -> memref<8x128xi32, #tpu.memory_space<hbm>>
        tpu.wait_dma2 semaphore(%run_scoped3A : memref<!tpu.dma_semaphore, #tpu.memory_space<semaphore_mem>>) src(%dma_wait3A_47 : memref<8x128xi32, #tpu.memory_space<hbm>>) dst(%arg7 : memref<8x128xi32, #tpu.memory_space<vmem>>)
        tpu.yield
      }) : () -> ()
      %scan3A_33 = arith.constant 0 : i32
      %scan3A_34 = arith.constant 8 : i32
      %scan3A_35 = arith.addi %scan3A_33, %scan3A_34 : i32
      %scan3A_36 = arith.constant 1 : i32
      scf.for %scan3A_38 = %scan3A_33 to %scan3A_35 step %scan3A_36  : i32 {
        %mul3A_39 = arith.constant 1 : i32
        %mul3A_40 = arith.muli %scan3A_38, %mul3A_39 : i32
        %add3A_41 = arith.constant 0 : i32
        %add3A_42 = arith.addi %add3A_41, %mul3A_40 : i32
        %dma_start3A = arith.constant 0 : i32
        %dma_start3A_43 = tpu.memref_slice %arg6[%add3A_42, %dma_start3A] : memref<8x128xi32, #tpu.memory_space<vmem>> -> memref<1x128xi32, #tpu.memory_space<vmem>>
        %dma_start3A_44 = tpu.memref_squeeze %dma_start3A_43 : memref<1x128xi32, #tpu.memory_space<vmem>> -> memref<128xi32, #tpu.memory_space<vmem>>
        %dma_start3A_45 = arith.constant 0 : i32
        %dma_start3A_46 = arith.constant 0 : i32
        %dma_start3A_47 = tpu.memref_slice %arg2[%dma_start3A_45, %dma_start3A_46] : memref<10000x144xf32, #tpu.memory_space<hbm>> -> memref<10000x144xf32, #tpu.memory_space<hbm>>
        tpu.enqueue_indirect_dma source(%dma_start3A_47 : memref<10000x144xf32, #tpu.memory_space<hbm>>) target(%arg8 : memref<128x144xf32, #tpu.memory_space<vmem>>) offsets(%dma_start3A_44 : memref<128xi32, #tpu.memory_space<vmem>>) semaphore(%arg10 : memref<!tpu.dma_semaphore, #tpu.memory_space<semaphore_mem>>)
        %dma_wait3A = arith.constant 0 : i32
        %dma_wait3A_48 = tpu.memref_slice %arg6[%add3A_42, %dma_wait3A] : memref<8x128xi32, #tpu.memory_space<vmem>> -> memref<1x128xi32, #tpu.memory_space<vmem>>
        %dma_wait3A_49 = tpu.memref_squeeze %dma_wait3A_48 : memref<1x128xi32, #tpu.memory_space<vmem>> -> memref<128xi32, #tpu.memory_space<vmem>>
        %dma_wait3A_50 = arith.constant 0 : i32
        %dma_wait3A_51 = arith.constant 0 : i32
        %dma_wait3A_52 = tpu.memref_slice %arg2[%dma_wait3A_50, %dma_wait3A_51] : memref<10000x144xf32, #tpu.memory_space<hbm>> -> memref<10000x144xf32, #tpu.memory_space<hbm>>
        tpu.wait_indirect_dma semaphore(%arg10 : memref<!tpu.dma_semaphore, #tpu.memory_space<semaphore_mem>>) src(%dma_wait3A_52 : memref<10000x144xf32, #tpu.memory_space<hbm>>) dst(%arg8 : memref<128x144xf32, #tpu.memory_space<vmem>>)
        "tpu.region"() ({
          %run_scoped3A = tpu.sem_alloc : memref<!tpu.dma_semaphore, #tpu.memory_space<semaphore_mem>>
          %dma_start3A_53 = arith.constant 0 : i32
          %dma_start3A_54 = tpu.memref_slice %arg7[%add3A_42, %dma_start3A_53] : memref<8x128xi32, #tpu.memory_space<vmem>> -> memref<1x128xi32, #tpu.memory_space<vmem>>
          %dma_start3A_55 = tpu.memref_squeeze %dma_start3A_54 : memref<1x128xi32, #tpu.memory_space<vmem>> -> memref<128xi32, #tpu.memory_space<vmem>>
          %dma_start3A_56 = arith.constant 0 : i32
          %dma_start3A_57 = arith.constant 0 : i32
          %dma_start3A_58 = tpu.memref_slice %arg9[%dma_start3A_56, %dma_start3A_57] : memref<10112x144xf32, #tpu.memory_space<vmem_shared>> -> memref<10112x144xf32, #tpu.memory_space<vmem_shared>>
          tpu.enqueue_indirect_dma source(%arg8 : memref<128x144xf32, #tpu.memory_space<vmem>>) target(%dma_start3A_58 : memref<10112x144xf32, #tpu.memory_space<vmem_shared>>) offsets(%dma_start3A_55 : memref<128xi32, #tpu.memory_space<vmem>>) semaphore(%run_scoped3A : memref<!tpu.dma_semaphore, #tpu.memory_space<semaphore_mem>>) {add = true}
          %dma_wait3A_59 = arith.constant 0 : i32
          %dma_wait3A_60 = tpu.memref_slice %arg7[%add3A_42, %dma_wait3A_59] : memref<8x128xi32, #tpu.memory_space<vmem>> -> memref<1x128xi32, #tpu.memory_space<vmem>>
          %dma_wait3A_61 = tpu.memref_squeeze %dma_wait3A_60 : memref<1x128xi32, #tpu.memory_space<vmem>> -> memref<128xi32, #tpu.memory_space<vmem>>
          %dma_wait3A_62 = arith.constant 0 : i32
          %dma_wait3A_63 = arith.constant 0 : i32
          %dma_wait3A_64 = tpu.memref_slice %arg9[%dma_wait3A_62, %dma_wait3A_63] : memref<10112x144xf32, #tpu.memory_space<vmem_shared>> -> memref<10112x144xf32, #tpu.memory_space<vmem_shared>>
          tpu.wait_indirect_dma semaphore(%run_scoped3A : memref<!tpu.dma_semaphore, #tpu.memory_space<semaphore_mem>>) src(%arg8 : memref<128x144xf32, #tpu.memory_space<vmem>>) dst(%dma_wait3A_64 : memref<10112x144xf32, #tpu.memory_space<vmem_shared>>)
          tpu.yield
        }) : () -> ()
      }
      %scan3A_37 = arith.constant 8 : i32
    }
    %scan3A_22 = arith.constant 10 : i32
    %barrier3A_23 = arith.constant 0 : index
    tpu.barrier barrier_id(%barrier3A_23)
    "tpu.region"() ({
      %run_scoped3A = tpu.sem_alloc : memref<!tpu.dma_semaphore, #tpu.memory_space<semaphore_mem>>
      %dma_start3A = arith.constant 0 : i32
      %dma_start3A_24 = tpu.memref_slice %arg5[%arg0, %mul3A_7, %dma_start3A] : memref<2x10112x144xf32, #tpu.memory_space<hbm>> -> memref<1x632x144xf32, #tpu.memory_space<hbm>>
      %dma_start3A_25 = tpu.memref_squeeze %dma_start3A_24 : memref<1x632x144xf32, #tpu.memory_space<hbm>> -> memref<632x144xf32, #tpu.memory_space<hbm>>
      %dma_start3A_26 = arith.constant 0 : i32
      %dma_start3A_27 = tpu.memref_slice %arg9[%mul3A_7, %dma_start3A_26] : memref<10112x144xf32, #tpu.memory_space<vmem_shared>> -> memref<632x144xf32, #tpu.memory_space<vmem_shared>>
      tpu.enqueue_dma source(%dma_start3A_27 : memref<632x144xf32, #tpu.memory_space<vmem_shared>>) target(%dma_start3A_25 : memref<632x144xf32, #tpu.memory_space<hbm>>) target_semaphore(%run_scoped3A : memref<!tpu.dma_semaphore, #tpu.memory_space<semaphore_mem>>)
      %dma_wait3A = arith.constant 0 : i32
      %dma_wait3A_28 = tpu.memref_slice %arg5[%arg0, %mul3A_7, %dma_wait3A] : memref<2x10112x144xf32, #tpu.memory_space<hbm>> -> memref<1x632x144xf32, #tpu.memory_space<hbm>>
      %dma_wait3A_29 = tpu.memref_squeeze %dma_wait3A_28 : memref<1x632x144xf32, #tpu.memory_space<hbm>> -> memref<632x144xf32, #tpu.memory_space<hbm>>
      %dma_wait3A_30 = arith.constant 0 : i32
      %dma_wait3A_31 = tpu.memref_slice %arg9[%mul3A_7, %dma_wait3A_30] : memref<10112x144xf32, #tpu.memory_space<vmem_shared>> -> memref<632x144xf32, #tpu.memory_space<vmem_shared>>
      tpu.wait_dma2 semaphore(%run_scoped3A : memref<!tpu.dma_semaphore, #tpu.memory_space<semaphore_mem>>) src(%dma_wait3A_31 : memref<632x144xf32, #tpu.memory_space<vmem_shared>>) dst(%dma_wait3A_29 : memref<632x144xf32, #tpu.memory_space<hbm>>)
      tpu.yield
    }) : () -> ()
    return
  }
}

module attributes {stable_mosaic.version = 14 : i64} {
  func.func @_combine_body(%arg0: i32, %arg1: memref<2x400x144xf32, #tpu.memory_space<vmem>>, %arg2: memref<400x128xf32, #tpu.memory_space<vmem>>, %arg3: memref<128x128xf32, #tpu.memory_space<vmem>>, %arg4: memref<128x128xf32, #tpu.memory_space<vmem>>, %arg5: memref<1x128xf32, #tpu.memory_space<vmem>>, %arg6: memref<400x128xf32, #tpu.memory_space<vmem>>) attributes {dimension_semantics = [#tpu.dimension_semantics<arbitrary>], iteration_bounds = array<i64: 25>, scalar_prefetch = 0 : i64, scratch_operands = 0 : i64, tpu.core_type = #tpu.core_type<tc>, window_params = [{transform_indices = @transform_0, window_bounds = array<i64: 2, 400, 144>}, {transform_indices = @transform_1, window_bounds = array<i64: 400, 128>}, {pipeline_mode = #tpu.pipeline_mode<synchronous>, transform_indices = @transform_2, window_bounds = array<i64: 128, 128>}, {pipeline_mode = #tpu.pipeline_mode<synchronous>, transform_indices = @transform_3, window_bounds = array<i64: 128, 128>}, {pipeline_mode = #tpu.pipeline_mode<synchronous>, transform_indices = @transform_4, window_bounds = array<i64: 1, 128>}, {transform_indices = @transform_5, window_bounds = array<i64: 400, 128>}]} {
    %get3A = arith.constant 0 : index
    %get3A_0 = arith.constant 0 : index
    %get3A_1 = arith.constant 0 : index
    %get3A_2 = vector.load %arg1[%get3A, %get3A_0, %get3A_1] : memref<2x400x144xf32, #tpu.memory_space<vmem>>, vector<1x400x144xf32>
    %get3A_3 = vector.shape_cast %get3A_2 : vector<1x400x144xf32> to vector<400x144xf32>
    %get3A_4 = arith.constant 1 : index
    %get3A_5 = arith.constant 0 : index
    %get3A_6 = arith.constant 0 : index
    %get3A_7 = vector.load %arg1[%get3A_4, %get3A_5, %get3A_6] : memref<2x400x144xf32, #tpu.memory_space<vmem>>, vector<1x400x144xf32>
    %get3A_8 = vector.shape_cast %get3A_7 : vector<1x400x144xf32> to vector<400x144xf32>
    %add3A = arith.addf %get3A_3, %get3A_8 : vector<400x144xf32>
    %slice3A = vector.extract_strided_slice %add3A {offsets = [0, 0], sizes = [400, 128], strides = [1, 1]} : vector<400x144xf32> to vector<400x128xf32>
    %slice3A_9 = vector.extract_strided_slice %add3A {offsets = [0, 128], sizes = [400, 16], strides = [1, 1]} : vector<400x144xf32> to vector<400x16xf32>
    %reduce_sum3A = arith.constant dense<0.000000e+00> : vector<400xf32>
    %reduce_sum3A_10 = vector.multi_reduction <add>, %slice3A_9, %reduce_sum3A [1] : vector<400x16xf32> to vector<400xf32>
    %broadcast_in_dim3A = vector.shape_cast %reduce_sum3A_10 : vector<400xf32> to vector<400x1xf32>
    %mul3A = arith.constant 6.250000e-02 : f32
    %mul3A_11 = vector.broadcast %mul3A : f32 to vector<400x1xf32>
    %mul3A_12 = arith.mulf %broadcast_in_dim3A, %mul3A_11 : vector<400x1xf32>
    %max3A = arith.constant 1.000000e+00 : f32
    %max3A_13 = vector.broadcast %max3A : f32 to vector<400x1xf32>
    %max3A_14 = arith.maximumf %mul3A_12, %max3A_13 : vector<400x1xf32>
    %div3A = vector.broadcast %max3A_14 : vector<400x1xf32> to vector<400x128xf32>
    %div3A_15 = arith.divf %slice3A, %div3A : vector<400x128xf32>
    %get3A_16 = arith.constant 0 : index
    %get3A_17 = arith.constant 0 : index
    %get3A_18 = vector.load %arg3[%get3A_16, %get3A_17] : memref<128x128xf32, #tpu.memory_space<vmem>>, vector<128x128xf32>
    %dot_general3A = arith.constant dense<0.000000e+00> : vector<400x128xf32>
    %dot_general3A_19 = tpu.matmul %div3A_15, %get3A_18, %dot_general3A {dimension_numbers = #tpu.dot_dimension_numbers<[1], [1], [0], [0], [0, 0, 1, 0], [], []>, transpose_lhs_hint = false} : vector<400x128xf32>, vector<128x128xf32>, vector<400x128xf32> -> vector<400x128xf32>
    %get3A_20 = arith.constant 0 : index
    %get3A_21 = arith.constant 0 : index
    %get3A_22 = vector.load %arg2[%get3A_20, %get3A_21] : memref<400x128xf32, #tpu.memory_space<vmem>>, vector<400x128xf32>
    %get3A_23 = arith.constant 0 : index
    %get3A_24 = arith.constant 0 : index
    %get3A_25 = vector.load %arg4[%get3A_23, %get3A_24] : memref<128x128xf32, #tpu.memory_space<vmem>>, vector<128x128xf32>
    %dot_general3A_26 = arith.constant dense<0.000000e+00> : vector<400x128xf32>
    %dot_general3A_27 = tpu.matmul %get3A_22, %get3A_25, %dot_general3A_26 {dimension_numbers = #tpu.dot_dimension_numbers<[1], [1], [0], [0], [0, 0, 1, 0], [], []>, transpose_lhs_hint = false} : vector<400x128xf32>, vector<128x128xf32>, vector<400x128xf32> -> vector<400x128xf32>
    %add3A_28 = arith.addf %dot_general3A_19, %dot_general3A_27 : vector<400x128xf32>
    %get3A_29 = arith.constant 0 : index
    %get3A_30 = arith.constant 0 : index
    %get3A_31 = vector.load %arg5[%get3A_29, %get3A_30] : memref<1x128xf32, #tpu.memory_space<vmem>>, vector<1x128xf32>
    %add3A_32 = vector.broadcast %get3A_31 : vector<1x128xf32> to vector<400x128xf32>
    %add3A_33 = arith.addf %add3A_28, %add3A_32 : vector<400x128xf32>
    %swap3A = arith.constant 0 : index
    %swap3A_34 = arith.constant 0 : index
    %swap3A_35 = vector.load %arg6[%swap3A, %swap3A_34] : memref<400x128xf32, #tpu.memory_space<vmem>>, vector<400x128xf32>
    tpu.vector_store %arg6[%swap3A, %swap3A_34], %add3A_33 {strides = array<i32>} : memref<400x128xf32, #tpu.memory_space<vmem>>, vector<400x128xf32>,
    return
  }
  func.func @transform_0(%arg0: i32) -> (i32, i32, i32) {
    %c0_i32 = arith.constant 0 : i32
    %c0_i32_0 = arith.constant 0 : i32
    %c0_i32_1 = arith.constant 0 : i32
    return %c0_i32, %arg0, %c0_i32_0 : i32, i32, i32
  }
  func.func @transform_1(%arg0: i32) -> (i32, i32) {
    %c0_i32 = arith.constant 0 : i32
    %c0_i32_0 = arith.constant 0 : i32
    return %arg0, %c0_i32 : i32, i32
  }
  func.func @transform_2(%arg0: i32) -> (i32, i32) {
    %c0_i32 = arith.constant 0 : i32
    %c0_i32_0 = arith.constant 0 : i32
    %c0_i32_1 = arith.constant 0 : i32
    return %c0_i32, %c0_i32_0 : i32, i32
  }
  func.func @transform_3(%arg0: i32) -> (i32, i32) {
    %c0_i32 = arith.constant 0 : i32
    %c0_i32_0 = arith.constant 0 : i32
    %c0_i32_1 = arith.constant 0 : i32
    return %c0_i32, %c0_i32_0 : i32, i32
  }
  func.func @transform_4(%arg0: i32) -> (i32, i32) {
    %c0_i32 = arith.constant 0 : i32
    %c0_i32_0 = arith.constant 0 : i32
    %c0_i32_1 = arith.constant 0 : i32
    return %c0_i32, %c0_i32_0 : i32, i32
  }
  func.func @transform_5(%arg0: i32) -> (i32, i32) {
    %c0_i32 = arith.constant 0 : i32
    %c0_i32_0 = arith.constant 0 : i32
    return %arg0, %c0_i32 : i32, i32
  }
}

</mosaic_0001>

<sc_bundles>
// kernel: kernel.4.cloned.1.call-start
scs
__scs_entry_jumppad:
0x0: {  	(pc) =	sbr.rel $0x88, $3  }
0x1: {  	(tag) =	ssettag $0x0;
	lr =	simm.s32 $0x1  }
0x2: {  	[smem:$0x3F9C] =	sst lr;
	_ =	strace $0xD0000000  }
0x3: {  	_ = 	snop  }
0x4: {  	_ = 	snop  }
0x5: {  	_ = 	snop  }
0x6: {  	_ = 	snop  }
0x7: {  	_ = 	snop  }
__scs_overlays_trampoline_lowered:
0x8: {  	[smem:$0x3FAB] =	sst s0  }
0x9: {  	[smem:$0x3FAC] =	sst s1  }
0xa: {  	[smem:$0x3FAD] =	sst s2  }
0xb: {  	[smem:$0x3FAE] =	sst s3  }
0xc: {  	[smem:$0x3FAF] =	sst s4  }
0xd: {  	[smem:$0x3FB0] =	sst s5  }
0xe: {  	[smem:$0x3FB1] =	sst s6  }
0xf: {  	[smem:$0x3FB2] =	sst s7  }
0x10: {  	[smem:$0x3FB3] =	sst s8  }
0x11: {  	[smem:$0x3FB4] =	sst s9;
	s0 =	simm.s32 @!p0 $0x0  }
0x12: {  	s1 =	sld [smem:$0x3F9A];
	s0 =	simm.s32 @p0 $0x1  }
0x13: {  	[smem:$0x3FB5] =	sst s0;
	s0 =	simm.s32 @!p1 $0x0  }
0x14: {  	s2 =	sld [smem:$0x3F99];
	s0 =	simm.s32 @p1 $0x1  }
0x15: {  	[smem:$0x3FB6] =	sst s0;
	s0 =	simm.s32 @!p2 $0x0  }
0x16: {  	s3 =	sld [smem:$0x3FDB];
	s0 =	simm.s32 @p2 $0x1  }
0x17: {  	s4 =	simm.s32 $0x1BF5;
	[smem:$0x3FB8] =	sst s0  }
0x18: {  	s0 =	sld [smem:$0x3F9B];
	_ =	swait.ge [sflag:s4], $0x0  }
0x19: {  	s7 =	sld [smem:$0x3F9C]  }
0x1a: {  	s8 =	sadd.s32 $0xFFFFE003, lr  }
0x1b: {  	s9 =	sadd.s32 $0xFFFFFEF7, lr;
	s5 =	simm.s32 $0xFFFFFFFF;
	p2 =	slt.u32 s8, $0xFFFFF086  }
0x1c: {  	p1 =	slt.u32 s9, $0xF7A;
	s5 =	simm.s32 @!p2 $0x0  }
0x1d: {  	s5 =	simm.s32 @p1 $0x1;
	p0 =	seq.s32 s7, s2  }
0x1e: {  	s7 =	smul.u32 @!p0 $0xF7A, s2;
	p2 =	seq.s32 @!p0 s5, $0x0  }
0x1f: {  	s9 =	smul.u32 $0xF7A, s1;
	s8 =	simm.s32 @!p0 $0x1BF5;
	p2 =	por !p2, p0  }
0x20: {  	[sflag:s8] =	ssyncset.s32 @!p0 $0xFFFFF086;
	s6 =	sadd.s32 @!p0 s3, s7;
	s7 =	simm.s32 @!p0 $0x108  }
0x21: {  	s3 =	sadd.s32 s3, s9;
	s6 =	sadd.s32 @!p0 $0x88, s6;
	s7 =	simm.s32 @p2 $0x1082  }
0x22: {  	[simem:s7], [sflag:s8] =	dma.local @!p0 [hbm:s6], $0xF7A  }
0x23: {  	s9 =	sor.u32 $0xD0000000, s2;
	s6 =	simm.s32 $0x108;
	_ =	swait.ge @!p0 [sflag:s8], $0x0  }
0x24: {  	s3 =	sadd.s32 $0x88, s3;
	s6 =	simm.s32 @!p1 $0x1082;
	[sflag:s4] =	ssyncset.s32 $0xFFFFF086  }
0x25: {  	[simem:s6], [sflag:s4] =	dma.local [hbm:s3], $0xF7A  }
0x26: {  	[smem:$0x3F9C] =	sst s1;
	(tag) =	ssettag s2;
	_ =	strace s9  }
0x27: {  	s1 =	sld [smem:$0x3FAC]  }
0x28: {  	s2 =	sld [smem:$0x3FAD]  }
0x29: {  	s4 =	sld [smem:$0x3FAF]  }
0x2a: {  	p0 =	seq.s32 s5, $0x0;
	s5 =	sld [smem:$0x3FB0]  }
0x2b: {  	s6 =	sld [smem:$0x3FB1]  }
0x2c: {  	s7 =	sld [smem:$0x3FB2]  }
0x2d: {  	s3 =	simm.s32 $0x108;
	s8 =	sld [smem:$0x3FB3]  }
0x2e: {  	s3 =	simm.s32 @!p0 $0x1082;
	s9 =	sld [smem:$0x3FB4]  }
0x2f: {  	lr =	sadd.s32 s0, s3;
	s0 =	sld [smem:$0x3FAB]  }
0x30: {  	s3 =	sld [smem:$0x3FAE]  }
0x31: {  	[smem:$0x3FB7] =	sst s10  }
0x32: {  	s10 =	sld [smem:$0x3FB5];
	_ =	sdelay $0x3  }
0x33: {  	p0 =	seq.s32 s10, $0x1;
	s10 =	sld [smem:$0x3FB7];
	_ =	sdelay $0x3  }
0x34: {  	[smem:$0x3FB7] =	sst s10  }
0x35: {  	s10 =	sld [smem:$0x3FB6];
	_ =	sdelay $0x3  }
0x36: {  	p1 =	seq.s32 s10, $0x1;
	s10 =	sld [smem:$0x3FB7];
	_ =	sdelay $0x3  }
0x37: {  	[smem:$0x3FB7] =	sst s10  }
0x38: {  	s10 =	sld [smem:$0x3FB8]  }
0x39: {  	_ = 	snop;
	(pc) =	sbr.ind lr, $3  }
0x3a: {  	_ = 	snop  }
0x3b: {  	_ = 	snop  }
0x3c: {  	p2 =	seq.s32 s10, $0x1;
	s10 =	sld [smem:$0x3FB7]  }
0x3d: {  	_ =	shalt  }
0x3e: {  	_ =	shalt  }
0x3f: {  	_ =	shalt  }
0x40: {  	_ =	shalt  }
0x41: {  	_ =	shalt  }
0x42: {  	_ =	shalt  }
0x43: {  	_ =	shalt  }
0x44: {  	_ =	shalt  }
0x45: {  	_ =	shalt  }
0x46: {  	_ =	shalt  }
0x47: {  	_ =	shalt  }
0x48: {  	_ =	shalt  }
0x49: {  	_ =	shalt  }
0x4a: {  	_ =	shalt  }
0x4b: {  	_ =	shalt  }
0x4c: {  	_ =	shalt  }
0x4d: {  	_ =	shalt  }
0x4e: {  	_ =	shalt  }
0x4f: {  	_ =	shalt  }
0x50: {  	_ =	shalt  }
0x51: {  	_ =	shalt  }
0x52: {  	_ =	shalt  }
0x53: {  	_ =	shalt  }
0x54: {  	_ =	shalt  }
0x55: {  	_ =	shalt  }
0x56: {  	_ =	shalt  }
0x57: {  	_ =	shalt  }
0x58: {  	_ =	shalt  }
0x59: {  	_ =	shalt  }
0x5a: {  	_ =	shalt  }
0x5b: {  	_ =	shalt  }
0x5c: {  	_ =	shalt  }
0x5d: {  	_ =	shalt  }
0x5e: {  	_ =	shalt  }
0x5f: {  	_ =	shalt  }
0x60: {  	_ =	shalt  }
0x61: {  	_ =	shalt  }
0x62: {  	_ =	shalt  }
0x63: {  	_ =	shalt  }
0x64: {  	_ =	shalt  }
0x65: {  	_ =	shalt  }
0x66: {  	_ =	shalt  }
0x67: {  	_ =	shalt  }
0x68: {  	_ =	shalt  }
0x69: {  	_ =	shalt  }
0x6a: {  	_ =	shalt  }
0x6b: {  	_ =	shalt  }
0x6c: {  	_ =	shalt  }
0x6d: {  	_ =	shalt  }
0x6e: {  	_ =	shalt  }
0x6f: {  	_ =	shalt  }
0x70: {  	_ =	shalt  }
0x71: {  	_ =	shalt  }
0x72: {  	_ =	shalt  }
0x73: {  	_ =	shalt  }
0x74: {  	_ =	shalt  }
0x75: {  	_ =	shalt  }
0x76: {  	_ =	shalt  }
0x77: {  	_ =	shalt  }
0x78: {  	_ =	shalt  }
0x79: {  	_ =	shalt  }
0x7a: {  	_ =	shalt  }
0x7b: {  	_ =	shalt  }
0x7c: {  	_ =	shalt  }
0x7d: {  	_ =	shalt  }
0x7e: {  	_ =	shalt  }
0x7f: {  	_ =	shalt  }
0x80: {  	_ =	shalt  }
0x81: {  	_ =	shalt  }
0x82: {  	_ =	shalt  }
0x83: {  	_ =	shalt  }
0x84: {  	_ =	shalt  }
0x85: {  	_ =	shalt  }
0x86: {  	_ =	shalt  }
0x87: {  	_ =	shalt  }
.Lfunc_end0:
.L_simem_size_0:
called_computation_lowered:
.L_overlay_start_0:
0x88: {  	s2 =	sld [smem:$0x3FD9]  }
0x89: {  	s3 =	sld [smem:$0x3FFE];
	_ =	sdelay $0x1  }
0x8a: {  	s1 =	srdreg.scid  }
0x8b: {  	s0 =	sand.u32 $0x1, s1  }
0x8c: {  	s17 =	sshll.u32 s0, $0xA;
	s2 =	sadd.s32 s3, s2  }
0x8d: {  	s2 =	sadd.s32 s2, s17  }
0x8e: {  	[smem:$0x3FC3] =	sst s2  }
0x8f: {  	_ = 	snop  }
0x90: {  	s2 =	sld [smem:$0x3FD0];
	(tm) =	ssettm $0x1  }
0x91: {  	s18 =	sld [smem:$0x3FFB];
	_ =	sdelay $0x3  }
0x92: {  	_ =	strace s18  }
0x93: {  	s3 =	sld [smem:$0x3FFC];
	_ =	sdelay $0x3  }
0x94: {  	_ =	strace s3  }
0x95: {  	s3 =	sld [smem:$0x3FFD];
	_ =	sdelay $0x3  }
0x96: {  	_ =	strace s3  }
0x97: {  	_ =	strace $0x8FFFFFFF  }
0x98: {  	s19 =	sld [smem:$0x3FDB];
	_ =	sdelay $0x1  }
0x99: {  	s4 =	simm.s32 $_scs_section_size  }
0x9a: {  	s5 =	simm.s32 $_size__tile_overlayer_lowered;
	s6 =	simm.s32 $_tile_overlayer_lowered  }
0x9b: {  	s22 =	simm.s32 $0x1BFF;
	s21 =	sshll.u32 s6, $0x1;
	s3 =	sadd.s32 s4, s19  }
0x9c: {  	s7 =	simm.s32 $0x0;
	s20 =	sshll.u32 s5, $0x1;
	s5 =	sadd.s32 s21, s3  }
0x9d: {  	[timem:s7], [sflag:s22] =	dma.local [hbm:s5], s20  }
0x9e: {  	_ =	swait.ge [sflag:s22], s20  }
0x9f: {  	s4 =	ssub.s32 $0x0, s20;
	[sflag:s22] =	ssyncset.done $0x0  }
0xa0: {  	[sflag:s22] =	ssyncadd.s32 s4;
	_ =	sdelay $0x1  }
0xa1: {  	s23 =	simm.s32 $0x1B8B  }
0xa2: {  	_ =	swait.ge [sflag:s23], $0x1  }
0xa3: {  	[sflag:s23] =	ssyncset.done $0x0  }
0xa4: {  	s25 =	simm.s32 $0x1B8E;
	s24 =	sld [smem:$0x3FFE];
	[sflag:s23] =	ssyncadd.s32 $0xFFFFFFFF  }
0xa5: {  	s26 =	simm.s32 $execute0_lowered;
	[smem:$0x3FD2] =	sst s25  }
0xa6: {  	s5 =	sshll.u32 s26, $0x1;
	_ =	strace $0x80000046;
	[dreg:$0x1] =	wrdreg $0xFFFFFFFF  }
0xa7: {  	s28 =	simm.s32 $_size_execute0_lowered;
	s3 =	sadd.s32 s3, s5;
	[dreg:$0x0] =	wrdreg $0x0  }
0xa8: {  	s5 =	sshll.u32 s28, $0x1;
	[dreg:$0x2] =	wrdreg s3  }
0xa9: {  	[dreg:$0x3] =	wrdreg s5  }
0xaa: {  	[dreg:$0x4] =	wrdreg $0xC0  }
0xab: {  	_ =	task [dreg:s7], $0x5FFFF  }
0xac: {  	[dreg:$0x1] =	wrdreg $0xFFFFFFFF  }
0xad: {  	[dreg:$0x0] =	wrdreg $0x60  }
0xae: {  	[dreg:$0x2] =	wrdreg s24  }
0xaf: {  	[dreg:$0x3] =	wrdreg s2  }
0xb0: {  	[dreg:$0x4] =	wrdreg $0x50000  }
0xb1: {  	[dreg:$0x5] =	wrdreg $0x9  }
0xb2: {  	_ =	task.clear_ibuf [dreg:s7], $0x6FFFF;
	_ =	strace $0x90000046  }
0xb3: {  	s29 =	simm.s32 $0x9;
	_ =	strace $0x80000048  }
0xb4: {  	_ =	swait.ge [sflag:s29], $0x1  }
0xb5: {  	[sflag:s29] =	ssyncadd.s32 $0xFFFFFFFF  }
0xb6: {  	_ =	strace $0x90000048  }
0xb7: {  	_ =	sfence  }
0xb8: {  	s30 =	sld [smem:$0x0];
	_ =	sdelay $0x2  }
0xb9: {  	s31 =	sshll.u32 s1, $0xD;
	s1 =	sshrl.u32 s1, $0x2  }
0xba: {  	s3 =	sand.u32 $0x4000, s31;
	s1 =	sadd.s32 s1, s30  }
0xbb: {  	s0 =	sor.u32 s3, s0;
	s1 =	sshll.u32 s1, $0x11  }
0xbc: {  	s0 =	sor.u32 s1, s0  }
0xbd: {  	s0 =	sadd.s32 $0x8F2B, s0  }
0xbe: {  	[sflag:s0] =	ssyncadd.remote.s32 $0x1  }
0xbf: {  	_ =	sfence.sel $0xFFFF  }
0xc0: {  	[dreg:$0x0] =	wrdreg $0xFFFFFFFF;
	(pc) =	sbr.abs _section_cstart, $3  }
0xc1: {  	[dreg:$0x1] =	wrdreg $0xFFFFFFFF  }
0xc2: {  	_ =	task.clear_ibuf [dreg:s7], $0x2FFFF;
	_ =	strace $0x9FFFFFFF  }
0xc3: {  	(tm) =	ssettm $0x7FFFFFFF  }
tec
execute0_lowered:
.L_overlay_start_1:
0x0: {  	(tag) =	ssettag $0x1  }
0x1: {  	s0 =	rddreg [dreg:$0x0]  }
0x2: {  	s1 =	srdreg.scid;
	s6 =	rddreg [dreg:$0x1]  }
0x3: {  	s10 =	stileid.u32;
	s2 =	rddreg [dreg:$0x2]  }
0x4: {  	s3 =	simm.s32 $0x0;
	s14 =	simm.s32 $0x800;
	s15 =	simm.s32 $0x2  }
0x5: {  	s16 =	simm.s32 $0x400;
	s17 =	simm.s32 $0x80;
	s18 =	simm.s32 $0x1  }
0x6: {  	s19 =	simm.s32 $0x480;
	s20 =	simm.s32 $0x100;
	s5 =	smul.u32 $0x5000, s10  }
0x7: {  	s28 =	simm.s32 $0x680;
	s29 =	simm.s32 $0x300;
	s8 =	smul.u32 $0x16380, s10  }
0x8: {  	s30 =	simm.s32 $0x700;
	s1 =	sand.u32 $0x1, s1;
	s22 =	smul.u32 $0x58E00, s10  }
0x9: {  	s31 =	simm.s32 $0x380;
	[smem:$0x7FF] =	sst s3;
	s7 =	smul.u32 $0x2800, s1  }
0xa: {  	s4 =	sadd.s32 $0x400, s0;
	s9 =	smul.u32 $0x163800, s1;
	s1 =	ssub.s32 $0x2, s1  }
0xb: {  	_ =	strace $0x80000047;
	s23 =	sshrl.u32 s1, $0x1;
	s5 =	sadd.s32 s7, s5  }
0xc: {  	s21 =	sadd.s32 s8, s9;
	s9 =	sshrl.u32 s22, $0x2;
	s1 =	ssub.s32 s1, s23  }
0xd: {  	s22 =	simm.s32 $0x180;
	s23 =	simm.s32 $0x580;
	s7 =	sshrl.u32 s5, $0x3  }
0xe: {  	s5 =	sshrl.u32 s21, $0x3;
	s24 =	sadd.s32 s9, s2;
	s11 =	smax.u32 s1, $0x1  }
0xf: {  	s21 =	simm.s32 $0x500;
	s1 =	simm.s32 $0x780;
	s9 =	sadd.s32 $0x4800, s24  }
0x10: {  	s12 =	sadd.s32 s7, s0;
	s25 =	sadd.s32 $0x9000, s24;
	[dreg:$0x4] =	wrdreg s9  }
0x11: {  	s0 =	sadd.s32 s5, s0;
	s26 =	sadd.s32 $0xD800, s24;
	[dreg:$0x5] =	wrdreg s25  }
0x12: {  	s5 =	sadd.s32 s8, s2;
	s8 =	sadd.s32 $0x12000, s24;
	[dreg:$0x6] =	wrdreg s26  }
0x13: {  	s13 =	sadd.s32 s7, s6;
	s24 =	simm.s32 $0x200;
	[dreg:$0x7] =	wrdreg s8  }
0x14: {  	s0 =	sadd.s32 $0x36400, s0;
	s12 =	sadd.s32 $0x2C400, s12;
	s25 =	simm.s32 $0x600  }
0x15: {  	v0 =	vimm.f32 $0.0e+00;
	s26 =	simm.s32 $0x280;
	[dreg:$0x8] =	wrdreg s0;
	s0 =	simm.s32 $0x0  }
.LBB2_1:
0x16: {  	s6 =	simm.s32 $0x0;
	s7 =	simm.s32 $0x240  }
.LBB2_2:
0x17: {  	p0 =	sne.s32 s7, $0x11DC0;
	[tilespmem:s6+$0x880] =	vst v0  }
0x18: {  	[tilespmem:s6+$0x800] =	vst v0  }
0x19: {  	[tilespmem:s6+$0x810] =	vst v0  }
0x1a: {  	[tilespmem:s6+$0x820] =	vst v0  }
.Ltmp0:
0x1b: {  	[tilespmem:s6+$0x830] =	vst v0;
	(pc) =	sbr.rel @p0 .LBB2_2-.Ltmp0, $4  }
0x1c: {  	[tilespmem:s6+$0x840] =	vst v0  }
0x1d: {  	[tilespmem:s6+$0x850] =	vst v0  }
0x1e: {  	[tilespmem:s6+$0x860] =	vst v0  }
0x1f: {  	[tilespmem:s6+$0x870] =	vst v0;
	s6 =	sshra.s32 s7, $0x2;
	s7 =	sadd.s32 $0x240, s7  }
0x20: {  	[tilespmem:s6+$0x880] =	vst v0  }
0x21: {  	[tilespmem:s6+$0x800] =	vst v0  }
0x22: {  	[tilespmem:s6+$0x810] =	vst v0  }
0x23: {  	[tilespmem:s6+$0x820] =	vst v0  }
0x24: {  	[tilespmem:s6+$0x830] =	vst v0  }
0x25: {  	[tilespmem:s6+$0x840] =	vst v0  }
0x26: {  	[tilespmem:s6+$0x850] =	vst v0  }
0x27: {  	[tilespmem:s6+$0x860] =	vst v0  }
0x28: {  	[tilespmem:s6+$0x870] =	vst v0  }
0x29: {  	[spmem:s5] =	stream.linear.scatter [tilespmem:s14], [sflag:$0x2], $0x4800, $0x38;
	[tilespmem:$0x1B380] =	vst v63  }
0x2a: {  	_ =	swait.ge [sflag:s15], $0x4800  }
0x2b: {  	[sflag:s15] =	ssyncset.done $0x0  }
0x2c: {  	s9 =	rddreg [dreg:$0x4];
	[sflag:s15] =	ssyncadd.s32 $0xFFFFB800  }
0x2d: {  	[spmem:s9] =	stream.linear.scatter [tilespmem:s14], [sflag:$0x2], $0x4800, $0x38;
	[tilespmem:$0x1B380] =	vst v63  }
0x2e: {  	_ =	swait.ge [sflag:s15], $0x4800  }
0x2f: {  	[sflag:s15] =	ssyncset.done $0x0  }
0x30: {  	s10 =	rddreg [dreg:$0x5];
	[sflag:s15] =	ssyncadd.s32 $0xFFFFB800  }
0x31: {  	[spmem:s10] =	stream.linear.scatter [tilespmem:s14], [sflag:$0x2], $0x4800, $0x38;
	[tilespmem:$0x1B380] =	vst v63  }
0x32: {  	_ =	swait.ge [sflag:s15], $0x4800  }
0x33: {  	[sflag:s15] =	ssyncset.done $0x0  }
0x34: {  	s7 =	rddreg [dreg:$0x6];
	[sflag:s15] =	ssyncadd.s32 $0xFFFFB800  }
0x35: {  	[spmem:s7] =	stream.linear.scatter [tilespmem:s14], [sflag:$0x2], $0x4800, $0x38;
	[tilespmem:$0x1B380] =	vst v63  }
0x36: {  	_ =	swait.ge [sflag:s15], $0x4800  }
0x37: {  	[sflag:s15] =	ssyncset.done $0x0  }
0x38: {  	s8 =	rddreg [dreg:$0x7];
	[sflag:s15] =	ssyncadd.s32 $0xFFFFB800  }
0x39: {  	[spmem:s8] =	stream.linear.scatter [tilespmem:s14], [sflag:$0x2], $0x4380, $0x38;
	[tilespmem:$0x1B380] =	vst v63  }
0x3a: {  	_ =	swait.ge [sflag:s15], $0x4380  }
0x3b: {  	[sflag:s15] =	ssyncset.done $0x0  }
0x3c: {  	[sflag:s15] =	ssyncadd.s32 $0xFFFFBC80  }
0x3d: {  	s9 =	sadd.s32 $0x0, s13;
	[bflag:$0x0] =	sbarrier.arrive $0xFFFF  }
0x3e: {  	[tilespmem:s3], [sflag:$0x2] =	stream.linear.gather [hbm4b:s9+s3], $0x400, $0x38;
	[tilespmem:$0x1B380] =	vst v63  }
0x3f: {  	_ =	swait.ge [sflag:s15], $0x400  }
0x40: {  	[sflag:s15] =	ssyncset.done $0x0  }
0x41: {  	s10 =	sadd.s32 $0x0, s12;
	[sflag:s15] =	ssyncadd.s32 $0xFFFFFC00  }
0x42: {  	[tilespmem:s16], [sflag:$0x2] =	stream.linear.gather [hbm4b:s10+s3], $0x400, $0x38;
	[tilespmem:$0x1B380] =	vst v63  }
0x43: {  	_ =	swait.ge [sflag:s15], $0x400  }
0x44: {  	[sflag:s15] =	ssyncset.done $0x0  }
0x45: {  	[sflag:s15] =	ssyncadd.s32 $0xFFFFFC00  }
0x46: {  	[tilespmem:s14], [sflag:$0x1] =	stream.indirect.gather [hbm4b:s4+s17], $0x90, s3, s17, $0xb8;
	[tilespmem:$0x1B380] =	vst v63  }
0x47: {  	_ =	swait.ge [sflag:s18], $0x4800  }
0x48: {  	[sflag:s18] =	ssyncset.done $0x0  }
0x49: {  	[sflag:s18] =	ssyncadd.s32 $0xFFFFB800  }
0x4a: {  	[spmem:s2] =	stream.indirect.scatter.add.f32 [tilespmem:s14], [sflag:$0x2], $0x90, s16, s17, $0xb8;
	[tilespmem:$0x1B380] =	vst v63  }
0x4b: {  	_ =	swait.ge [sflag:s15], $0x4800  }
0x4c: {  	[sflag:s15] =	ssyncset.done $0x0  }
0x4d: {  	[sflag:s15] =	ssyncadd.s32 $0xFFFFB800  }
0x4e: {  	[tilespmem:s14], [sflag:$0x1] =	stream.indirect.gather [hbm4b:s4+s17], $0x90, s17, s17, $0xb8;
	[tilespmem:$0x1B380] =	vst v63  }
0x4f: {  	_ =	swait.ge [sflag:s18], $0x4800  }
0x50: {  	[sflag:s18] =	ssyncset.done $0x0  }
0x51: {  	[sflag:s18] =	ssyncadd.s32 $0xFFFFB800  }
0x52: {  	[spmem:s2] =	stream.indirect.scatter.add.f32 [tilespmem:s14], [sflag:$0x2], $0x90, s19, s17, $0xb8;
	[tilespmem:$0x1B380] =	vst v63  }
0x53: {  	_ =	swait.ge [sflag:s15], $0x4800  }
0x54: {  	[sflag:s15] =	ssyncset.done $0x0  }
0x55: {  	[sflag:s15] =	ssyncadd.s32 $0xFFFFB800  }
0x56: {  	[tilespmem:s14], [sflag:$0x1] =	stream.indirect.gather [hbm4b:s4+s17], $0x90, s20, s17, $0xb8;
	[tilespmem:$0x1B380] =	vst v63  }
0x57: {  	_ =	swait.ge [sflag:s18], $0x4800  }
0x58: {  	[sflag:s18] =	ssyncset.done $0x0  }
0x59: {  	[sflag:s18] =	ssyncadd.s32 $0xFFFFB800  }
0x5a: {  	[spmem:s2] =	stream.indirect.scatter.add.f32 [tilespmem:s14], [sflag:$0x2], $0x90, s21, s17, $0xb8;
	[tilespmem:$0x1B380] =	vst v63  }
0x5b: {  	_ =	swait.ge [sflag:s15], $0x4800  }
0x5c: {  	[sflag:s15] =	ssyncset.done $0x0  }
0x5d: {  	[sflag:s15] =	ssyncadd.s32 $0xFFFFB800  }
0x5e: {  	[tilespmem:s14], [sflag:$0x1] =	stream.indirect.gather [hbm4b:s4+s17], $0x90, s22, s17, $0xb8;
	[tilespmem:$0x1B380] =	vst v63  }
0x5f: {  	_ =	swait.ge [sflag:s18], $0x4800  }
0x60: {  	[sflag:s18] =	ssyncset.done $0x0  }
0x61: {  	[sflag:s18] =	ssyncadd.s32 $0xFFFFB800  }
0x62: {  	[spmem:s2] =	stream.indirect.scatter.add.f32 [tilespmem:s14], [sflag:$0x2], $0x90, s23, s17, $0xb8;
	[tilespmem:$0x1B380] =	vst v63  }
0x63: {  	_ =	swait.ge [sflag:s15], $0x4800  }
0x64: {  	[sflag:s15] =	ssyncset.done $0x0  }
0x65: {  	[sflag:s15] =	ssyncadd.s32 $0xFFFFB800  }
0x66: {  	[tilespmem:s14], [sflag:$0x1] =	stream.indirect.gather [hbm4b:s4+s17], $0x90, s24, s17, $0xb8;
	[tilespmem:$0x1B380] =	vst v63  }
0x67: {  	_ =	swait.ge [sflag:s18], $0x4800  }
0x68: {  	[sflag:s18] =	ssyncset.done $0x0  }
0x69: {  	[sflag:s18] =	ssyncadd.s32 $0xFFFFB800  }
0x6a: {  	[spmem:s2] =	stream.indirect.scatter.add.f32 [tilespmem:s14], [sflag:$0x2], $0x90, s25, s17, $0xb8;
	[tilespmem:$0x1B380] =	vst v63  }
0x6b: {  	_ =	swait.ge [sflag:s15], $0x4800  }
0x6c: {  	[sflag:s15] =	ssyncset.done $0x0  }
0x6d: {  	[sflag:s15] =	ssyncadd.s32 $0xFFFFB800  }
0x6e: {  	[tilespmem:s14], [sflag:$0x1] =	stream.indirect.gather [hbm4b:s4+s17], $0x90, s26, s17, $0xb8;
	[tilespmem:$0x1B380] =	vst v63  }
0x6f: {  	_ =	swait.ge [sflag:s18], $0x4800  }
0x70: {  	[sflag:s18] =	ssyncset.done $0x0  }
0x71: {  	[sflag:s18] =	ssyncadd.s32 $0xFFFFB800  }
0x72: {  	[spmem:s2] =	stream.indirect.scatter.add.f32 [tilespmem:s14], [sflag:$0x2], $0x90, s28, s17, $0xb8;
	[tilespmem:$0x1B380] =	vst v63  }
0x73: {  	_ =	swait.ge [sflag:s15], $0x4800  }
0x74: {  	[sflag:s15] =	ssyncset.done $0x0  }
0x75: {  	[sflag:s15] =	ssyncadd.s32 $0xFFFFB800  }
0x76: {  	[tilespmem:s14], [sflag:$0x1] =	stream.indirect.gather [hbm4b:s4+s17], $0x90, s29, s17, $0xb8;
	[tilespmem:$0x1B380] =	vst v63  }
0x77: {  	_ =	swait.ge [sflag:s18], $0x4800  }
0x78: {  	[sflag:s18] =	ssyncset.done $0x0  }
0x79: {  	[sflag:s18] =	ssyncadd.s32 $0xFFFFB800  }
0x7a: {  	[spmem:s2] =	stream.indirect.scatter.add.f32 [tilespmem:s14], [sflag:$0x2], $0x90, s30, s17, $0xb8;
	[tilespmem:$0x1B380] =	vst v63  }
0x7b: {  	_ =	swait.ge [sflag:s15], $0x4800  }
0x7c: {  	[sflag:s15] =	ssyncset.done $0x0  }
0x7d: {  	[sflag:s15] =	ssyncadd.s32 $0xFFFFB800  }
0x7e: {  	[tilespmem:s14], [sflag:$0x1] =	stream.indirect.gather [hbm4b:s4+s17], $0x90, s31, s17, $0xb8;
	[tilespmem:$0x1B380] =	vst v63  }
0x7f: {  	_ =	swait.ge [sflag:s18], $0x4800  }
0x80: {  	[sflag:s18] =	ssyncset.done $0x0  }
0x81: {  	[sflag:s18] =	ssyncadd.s32 $0xFFFFB800  }
0x82: {  	[spmem:s2] =	stream.indirect.scatter.add.f32 [tilespmem:s14], [sflag:$0x2], $0x90, s1, s17, $0xb8;
	[tilespmem:$0x1B380] =	vst v63  }
0x83: {  	_ =	swait.ge [sflag:s15], $0x4800  }
0x84: {  	s6 =	simm.s32 $0x80;
	s7 =	simm.s32 $0x100;
	[sflag:s15] =	ssyncset.done $0x0  }
.LBB2_4:
0x85: {  	s9 =	sadd.s32 s6, s13  }
0x86: {  	[sflag:s15] =	ssyncadd.s32 $0xFFFFB800;
	s10 =	smov.u32 s7;
	s8 =	sadd.s32 $0x80, s7  }
0x87: {  	[tilespmem:s3], [sflag:$0x2] =	stream.linear.gather [hbm4b:s9+s3], $0x400, $0x38;
	[tilespmem:$0x1B380] =	vst v63  }
0x88: {  	p0 =	sne.s32 s7, $0x480;
	_ =	swait.ge [sflag:s15], $0x400  }
0x89: {  	[sflag:s15] =	ssyncset.done $0x0  }
0x8a: {  	s7 =	sadd.s32 s6, s12;
	s6 =	smov.u32 s10;
	[sflag:s15] =	ssyncadd.s32 $0xFFFFFC00  }
0x8b: {  	[tilespmem:s16], [sflag:$0x2] =	stream.linear.gather [hbm4b:s7+s3], $0x400, $0x38;
	[tilespmem:$0x1B380] =	vst v63  }
0x8c: {  	_ =	swait.ge [sflag:s15], $0x400  }
0x8d: {  	[sflag:s15] =	ssyncset.done $0x0  }
0x8e: {  	[sflag:s15] =	ssyncadd.s32 $0xFFFFFC00  }
0x8f: {  	[tilespmem:s14], [sflag:$0x1] =	stream.indirect.gather [hbm4b:s4+s17], $0x90, s3, s17, $0xb8;
	[tilespmem:$0x1B380] =	vst v63  }
0x90: {  	_ =	swait.ge [sflag:s18], $0x4800  }
0x91: {  	[sflag:s18] =	ssyncset.done $0x0  }
0x92: {  	[sflag:s18] =	ssyncadd.s32 $0xFFFFB800  }
0x93: {  	[spmem:s2] =	stream.indirect.scatter.add.f32 [tilespmem:s14], [sflag:$0x2], $0x90, s16, s17, $0xb8;
	[tilespmem:$0x1B380] =	vst v63  }
0x94: {  	_ =	swait.ge [sflag:s15], $0x4800  }
0x95: {  	[sflag:s15] =	ssyncset.done $0x0  }
0x96: {  	[sflag:s15] =	ssyncadd.s32 $0xFFFFB800  }
0x97: {  	[tilespmem:s14], [sflag:$0x1] =	stream.indirect.gather [hbm4b:s4+s17], $0x90, s17, s17, $0xb8;
	[tilespmem:$0x1B380] =	vst v63  }
0x98: {  	_ =	swait.ge [sflag:s18], $0x4800  }
0x99: {  	[sflag:s18] =	ssyncset.done $0x0  }
0x9a: {  	[sflag:s18] =	ssyncadd.s32 $0xFFFFB800  }
0x9b: {  	[spmem:s2] =	stream.indirect.scatter.add.f32 [tilespmem:s14], [sflag:$0x2], $0x90, s19, s17, $0xb8;
	[tilespmem:$0x1B380] =	vst v63  }
0x9c: {  	_ =	swait.ge [sflag:s15], $0x4800  }
0x9d: {  	[sflag:s15] =	ssyncset.done $0x0  }
0x9e: {  	[sflag:s15] =	ssyncadd.s32 $0xFFFFB800  }
0x9f: {  	[tilespmem:s14], [sflag:$0x1] =	stream.indirect.gather [hbm4b:s4+s17], $0x90, s20, s17, $0xb8;
	[tilespmem:$0x1B380] =	vst v63  }
0xa0: {  	_ =	swait.ge [sflag:s18], $0x4800  }
0xa1: {  	[sflag:s18] =	ssyncset.done $0x0  }
0xa2: {  	[sflag:s18] =	ssyncadd.s32 $0xFFFFB800  }
0xa3: {  	[spmem:s2] =	stream.indirect.scatter.add.f32 [tilespmem:s14], [sflag:$0x2], $0x90, s21, s17, $0xb8;
	[tilespmem:$0x1B380] =	vst v63  }
0xa4: {  	_ =	swait.ge [sflag:s15], $0x4800  }
0xa5: {  	[sflag:s15] =	ssyncset.done $0x0  }
0xa6: {  	[sflag:s15] =	ssyncadd.s32 $0xFFFFB800  }
0xa7: {  	[tilespmem:s14], [sflag:$0x1] =	stream.indirect.gather [hbm4b:s4+s17], $0x90, s22, s17, $0xb8;
	[tilespmem:$0x1B380] =	vst v63  }
0xa8: {  	_ =	swait.ge [sflag:s18], $0x4800  }
0xa9: {  	[sflag:s18] =	ssyncset.done $0x0  }
0xaa: {  	[sflag:s18] =	ssyncadd.s32 $0xFFFFB800  }
0xab: {  	[spmem:s2] =	stream.indirect.scatter.add.f32 [tilespmem:s14], [sflag:$0x2], $0x90, s23, s17, $0xb8;
	[tilespmem:$0x1B380] =	vst v63  }
0xac: {  	_ =	swait.ge [sflag:s15], $0x4800  }
0xad: {  	[sflag:s15] =	ssyncset.done $0x0  }
0xae: {  	[sflag:s15] =	ssyncadd.s32 $0xFFFFB800  }
0xaf: {  	[tilespmem:s14], [sflag:$0x1] =	stream.indirect.gather [hbm4b:s4+s17], $0x90, s24, s17, $0xb8;
	[tilespmem:$0x1B380] =	vst v63  }
0xb0: {  	_ =	swait.ge [sflag:s18], $0x4800  }
0xb1: {  	[sflag:s18] =	ssyncset.done $0x0  }
0xb2: {  	[sflag:s18] =	ssyncadd.s32 $0xFFFFB800  }
0xb3: {  	[spmem:s2] =	stream.indirect.scatter.add.f32 [tilespmem:s14], [sflag:$0x2], $0x90, s25, s17, $0xb8;
	[tilespmem:$0x1B380] =	vst v63  }
0xb4: {  	_ =	swait.ge [sflag:s15], $0x4800  }
0xb5: {  	[sflag:s15] =	ssyncset.done $0x0  }
0xb6: {  	[sflag:s15] =	ssyncadd.s32 $0xFFFFB800  }
0xb7: {  	[tilespmem:s14], [sflag:$0x1] =	stream.indirect.gather [hbm4b:s4+s17], $0x90, s26, s17, $0xb8;
	[tilespmem:$0x1B380] =	vst v63  }
0xb8: {  	_ =	swait.ge [sflag:s18], $0x4800  }
0xb9: {  	[sflag:s18] =	ssyncset.done $0x0  }
0xba: {  	[sflag:s18] =	ssyncadd.s32 $0xFFFFB800  }
0xbb: {  	[spmem:s2] =	stream.indirect.scatter.add.f32 [tilespmem:s14], [sflag:$0x2], $0x90, s28, s17, $0xb8;
	[tilespmem:$0x1B380] =	vst v63  }
0xbc: {  	_ =	swait.ge [sflag:s15], $0x4800  }
0xbd: {  	[sflag:s15] =	ssyncset.done $0x0  }
0xbe: {  	[sflag:s15] =	ssyncadd.s32 $0xFFFFB800  }
0xbf: {  	[tilespmem:s14], [sflag:$0x1] =	stream.indirect.gather [hbm4b:s4+s17], $0x90, s29, s17, $0xb8;
	[tilespmem:$0x1B380] =	vst v63  }
0xc0: {  	_ =	swait.ge [sflag:s18], $0x4800  }
0xc1: {  	[sflag:s18] =	ssyncset.done $0x0  }
0xc2: {  	[sflag:s18] =	ssyncadd.s32 $0xFFFFB800  }
0xc3: {  	[spmem:s2] =	stream.indirect.scatter.add.f32 [tilespmem:s14], [sflag:$0x2], $0x90, s30, s17, $0xb8;
	[tilespmem:$0x1B380] =	vst v63  }
0xc4: {  	_ =	swait.ge [sflag:s15], $0x4800  }
0xc5: {  	[sflag:s15] =	ssyncset.done $0x0  }
0xc6: {  	[sflag:s15] =	ssyncadd.s32 $0xFFFFB800  }
0xc7: {  	[tilespmem:s14], [sflag:$0x1] =	stream.indirect.gather [hbm4b:s4+s17], $0x90, s31, s17, $0xb8;
	[tilespmem:$0x1B380] =	vst v63  }
0xc8: {  	_ =	swait.ge [sflag:s18], $0x4800  }
.Ltmp1:
0xc9: {  	[sflag:s18] =	ssyncset.done $0x0;
	(pc) =	sbr.rel @p0 .LBB2_4-.Ltmp1, $4  }
0xca: {  	[sflag:s18] =	ssyncadd.s32 $0xFFFFB800  }
0xcb: {  	[spmem:s2] =	stream.indirect.scatter.add.f32 [tilespmem:s14], [sflag:$0x2], $0x90, s1, s17, $0xb8;
	[tilespmem:$0x1B380] =	vst v63  }
0xcc: {  	_ =	swait.ge [sflag:s15], $0x4800  }
0xcd: {  	s7 =	smov.u32 s8;
	[sflag:s15] =	ssyncset.done $0x0  }
0xce: {  	s7 =	sadd.s32 s6, s13;
	[sflag:s15] =	ssyncadd.s32 $0xFFFFB800  }
0xcf: {  	[tilespmem:s3], [sflag:$0x2] =	stream.linear.gather [hbm4b:s7+s3], $0x400, $0x38;
	[tilespmem:$0x1B380] =	vst v63  }
0xd0: {  	_ =	swait.ge [sflag:s15], $0x400  }
0xd1: {  	[sflag:s15] =	ssyncset.done $0x0  }
0xd2: {  	s8 =	sadd.s32 s6, s12;
	[sflag:s15] =	ssyncadd.s32 $0xFFFFFC00  }
0xd3: {  	[tilespmem:s16], [sflag:$0x2] =	stream.linear.gather [hbm4b:s8+s3], $0x400, $0x38;
	[tilespmem:$0x1B380] =	vst v63  }
0xd4: {  	_ =	swait.ge [sflag:s15], $0x400  }
0xd5: {  	[sflag:s15] =	ssyncset.done $0x0  }
0xd6: {  	[sflag:s15] =	ssyncadd.s32 $0xFFFFFC00  }
0xd7: {  	[tilespmem:s14], [sflag:$0x1] =	stream.indirect.gather [hbm4b:s4+s17], $0x90, s3, s17, $0xb8;
	[tilespmem:$0x1B380] =	vst v63  }
0xd8: {  	_ =	swait.ge [sflag:s18], $0x4800  }
0xd9: {  	[sflag:s18] =	ssyncset.done $0x0  }
0xda: {  	[sflag:s18] =	ssyncadd.s32 $0xFFFFB800  }
0xdb: {  	[spmem:s2] =	stream.indirect.scatter.add.f32 [tilespmem:s14], [sflag:$0x2], $0x90, s16, s17, $0xb8;
	[tilespmem:$0x1B380] =	vst v63  }
0xdc: {  	_ =	swait.ge [sflag:s15], $0x4800  }
0xdd: {  	[sflag:s15] =	ssyncset.done $0x0  }
0xde: {  	[sflag:s15] =	ssyncadd.s32 $0xFFFFB800  }
0xdf: {  	[tilespmem:s14], [sflag:$0x1] =	stream.indirect.gather [hbm4b:s4+s17], $0x90, s17, s17, $0xb8;
	[tilespmem:$0x1B380] =	vst v63  }
0xe0: {  	_ =	swait.ge [sflag:s18], $0x4800  }
0xe1: {  	[sflag:s18] =	ssyncset.done $0x0  }
0xe2: {  	[sflag:s18] =	ssyncadd.s32 $0xFFFFB800  }
0xe3: {  	[spmem:s2] =	stream.indirect.scatter.add.f32 [tilespmem:s14], [sflag:$0x2], $0x90, s19, s17, $0xb8;
	[tilespmem:$0x1B380] =	vst v63  }
0xe4: {  	_ =	swait.ge [sflag:s15], $0x4800  }
0xe5: {  	[sflag:s15] =	ssyncset.done $0x0  }
0xe6: {  	[sflag:s15] =	ssyncadd.s32 $0xFFFFB800  }
0xe7: {  	[tilespmem:s14], [sflag:$0x1] =	stream.indirect.gather [hbm4b:s4+s17], $0x90, s20, s17, $0xb8;
	[tilespmem:$0x1B380] =	vst v63  }
0xe8: {  	_ =	swait.ge [sflag:s18], $0x4800  }
0xe9: {  	[sflag:s18] =	ssyncset.done $0x0  }
0xea: {  	[sflag:s18] =	ssyncadd.s32 $0xFFFFB800  }
0xeb: {  	[spmem:s2] =	stream.indirect.scatter.add.f32 [tilespmem:s14], [sflag:$0x2], $0x90, s21, s17, $0xb8;
	[tilespmem:$0x1B380] =	vst v63  }
0xec: {  	_ =	swait.ge [sflag:s15], $0x4800  }
0xed: {  	[sflag:s15] =	ssyncset.done $0x0  }
0xee: {  	[sflag:s15] =	ssyncadd.s32 $0xFFFFB800  }
0xef: {  	[tilespmem:s14], [sflag:$0x1] =	stream.indirect.gather [hbm4b:s4+s17], $0x90, s22, s17, $0xb8;
	[tilespmem:$0x1B380] =	vst v63  }
0xf0: {  	_ =	swait.ge [sflag:s18], $0x4800  }
0xf1: {  	[sflag:s18] =	ssyncset.done $0x0  }
0xf2: {  	[sflag:s18] =	ssyncadd.s32 $0xFFFFB800  }
0xf3: {  	[spmem:s2] =	stream.indirect.scatter.add.f32 [tilespmem:s14], [sflag:$0x2], $0x90, s23, s17, $0xb8;
	[tilespmem:$0x1B380] =	vst v63  }
0xf4: {  	_ =	swait.ge [sflag:s15], $0x4800  }
0xf5: {  	[sflag:s15] =	ssyncset.done $0x0  }
0xf6: {  	[sflag:s15] =	ssyncadd.s32 $0xFFFFB800  }
0xf7: {  	[tilespmem:s14], [sflag:$0x1] =	stream.indirect.gather [hbm4b:s4+s17], $0x90, s24, s17, $0xb8;
	[tilespmem:$0x1B380] =	vst v63  }
0xf8: {  	_ =	swait.ge [sflag:s18], $0x4800  }
0xf9: {  	[sflag:s18] =	ssyncset.done $0x0  }
0xfa: {  	[sflag:s18] =	ssyncadd.s32 $0xFFFFB800  }
0xfb: {  	[spmem:s2] =	stream.indirect.scatter.add.f32 [tilespmem:s14], [sflag:$0x2], $0x90, s25, s17, $0xb8;
	[tilespmem:$0x1B380] =	vst v63  }
0xfc: {  	_ =	swait.ge [sflag:s15], $0x4800  }
0xfd: {  	[sflag:s15] =	ssyncset.done $0x0  }
0xfe: {  	[sflag:s15] =	ssyncadd.s32 $0xFFFFB800  }
0xff: {  	[tilespmem:s14], [sflag:$0x1] =	stream.indirect.gather [hbm4b:s4+s17], $0x90, s26, s17, $0xb8;
	[tilespmem:$0x1B380] =	vst v63  }
0x100: {  	_ =	swait.ge [sflag:s18], $0x4800  }
0x101: {  	[sflag:s18] =	ssyncset.done $0x0  }
0x102: {  	[sflag:s18] =	ssyncadd.s32 $0xFFFFB800  }
0x103: {  	[spmem:s2] =	stream.indirect.scatter.add.f32 [tilespmem:s14], [sflag:$0x2], $0x90, s28, s17, $0xb8;
	[tilespmem:$0x1B380] =	vst v63  }
0x104: {  	_ =	swait.ge [sflag:s15], $0x4800  }
0x105: {  	[sflag:s15] =	ssyncset.done $0x0  }
0x106: {  	[sflag:s15] =	ssyncadd.s32 $0xFFFFB800  }
0x107: {  	[tilespmem:s14], [sflag:$0x1] =	stream.indirect.gather [hbm4b:s4+s17], $0x90, s29, s17, $0xb8;
	[tilespmem:$0x1B380] =	vst v63  }
0x108: {  	_ =	swait.ge [sflag:s18], $0x4800  }
0x109: {  	[sflag:s18] =	ssyncset.done $0x0  }
0x10a: {  	[sflag:s18] =	ssyncadd.s32 $0xFFFFB800  }
0x10b: {  	[spmem:s2] =	stream.indirect.scatter.add.f32 [tilespmem:s14], [sflag:$0x2], $0x90, s30, s17, $0xb8;
	[tilespmem:$0x1B380] =	vst v63  }
0x10c: {  	_ =	swait.ge [sflag:s15], $0x4800  }
0x10d: {  	[sflag:s15] =	ssyncset.done $0x0  }
0x10e: {  	[sflag:s15] =	ssyncadd.s32 $0xFFFFB800  }
0x10f: {  	[tilespmem:s14], [sflag:$0x1] =	stream.indirect.gather [hbm4b:s4+s17], $0x90, s31, s17, $0xb8;
	[tilespmem:$0x1B380] =	vst v63  }
0x110: {  	_ =	swait.ge [sflag:s18], $0x4800  }
0x111: {  	[sflag:s18] =	ssyncset.done $0x0  }
0x112: {  	[sflag:s18] =	ssyncadd.s32 $0xFFFFB800  }
0x113: {  	[spmem:s2] =	stream.indirect.scatter.add.f32 [tilespmem:s14], [sflag:$0x2], $0x90, s1, s17, $0xb8;
	[tilespmem:$0x1B380] =	vst v63  }
0x114: {  	_ =	swait.ge [sflag:s15], $0x4800  }
0x115: {  	s9 =	stileid.u32;
	[sflag:s15] =	ssyncset.done $0x0  }
0x116: {  	s10 =	sshrl.u32 s5, $0x3;
	s0 =	sadd.s32 $0x1, s0;
	[sflag:s15] =	ssyncadd.s32 $0xFFFFB800  }
0x117: {  	s6 =	sshll.u32 s9, $0x6;
	p0 =	sne.s32 s0, s11;
	[bflag:$0x0] =	sbarrier.arrive $0xFFFF  }
.Ltmp2:
0x118: {  	s6 =	sor.u32 $0x1C02, s6;
	s8 =	rddreg [dreg:$0x8];
	(pc) =	sbr.rel @p0 .LBB2_1-.Ltmp2, $4  }
0x119: {  	[hbm:s8], [sflag:s6] =	dma.local [spmem:s10], $0x2C70  }
0x11a: {  	_ =	swait.ge [sflag:s15], $0x2C70  }
0x11b: {  	[sflag:s15] =	ssyncset.done $0x0  }
0x11c: {  	[sflag:s15] =	ssyncadd.s32 $0xFFFFD390  }
0x11d: {  	_ =	sfence.sel $0x180000  }
0x11e: {  	[bflag:$0x0] =	sbarrier.arrive $0xFFFF  }
0x11f: {  	_ =	strace $0x90000047  }
0x120: {  	s0 =	stileid.u32;
	[bflag:$0x2] =	sbarrier.arrive $0xFFFF  }
0x121: {  	p0 =	sne.s32 s0, $0x0;
	s0 =	rddreg [dreg:$0x3]  }
0x122: {  	s0 =	sadd.s32 @!p0 $0x100000, s0  }
0x123: {  	[sflag:s0] =	ssyncadd.tile.s32 @!p0 $0x1;
	_ =	shalt  }
.Lfunc_end2:
_tile_overlayer_lowered:
.L_overlay_start_2:
0x124: {  	(tag) =	ssettag $0x2  }
0x125: {  	s0 =	rddreg [dreg:$0x0];
	s2 =	stileid.u32  }
0x126: {  	s1 =	rddreg [dreg:$0x1];
	p0 =	sne.s32 s2, $0x0  }
0x127: {  	s3 =	rddreg [dreg:$0x2];
	[bflag:$0x3] =	sbarrier.arrive $0xFFFF;
	s2 =	simm.s32 @!p0 $0x1C02  }
0x128: {  	[timem:s3], [sflag:s2] =	dma.local @!p0 [hbm:s0], s1  }
0x129: {  	s0 =	simm.s32 @!p0 $0x2  }
0x12a: {  	_ =	swait.ge @!p0 [sflag:s0], s1  }
0x12b: {  	s1 =	ssub.s32 @!p0 $0x0, s1;
	[sflag:s0] =	ssyncset.done @!p0 $0x0  }
0x12c: {  	[sflag:s0] =	ssyncadd.s32 @!p0 s1  }
0x12d: {  	[bflag:$0x3] =	sbarrier.arrive $0xFFFF  }
0x12e: {  	_ =	shalt  }

</sc_bundles>
